<compile_context>
chip_gen: v7x
topology: tpu7x:2x2x1
jax: 0.10.2.dev20260603
libtpu: 0.0.44.dev20260713+nightly
codegen_flags: <defaults>
</compile_context>

<pallas_src>
import functools
import math
import jax
import jax.numpy as jnp
from jax.experimental import pallas as pl
from jax.experimental.pallas import tpu as pltpu
from jax.experimental.pallas import tpu_sc as plsc

_N = 256
_G = 8
_F = 4
_H = 128
_NT = 3
_TD = 128
_NL = 512

def _dot(a, b):
    return jax.lax.dot_general(a, b, (((a.ndim - 1,), (0,)), ((), ())),
                               precision=jax.lax.Precision.DEFAULT,
                               preferred_element_type=jnp.float32)


def _dot_exact(a, b):
    return jax.lax.dot_general(a, b, (((a.ndim - 1,), (0,)), ((), ())),
                               precision=jax.lax.Precision.HIGHEST,
                               preferred_element_type=jnp.float32)


def _ln(x, g, b):
    mu = jnp.mean(x, -1, keepdims=True)
    var = jnp.mean((x - mu) ** 2, -1, keepdims=True)
    return (x - mu) * jax.lax.rsqrt(var + 1e-5) * g + b


def _silu(x):
    return x * jax.nn.sigmoid(x)



_NSUB = 32
_LANES = 16


def _sc_adj_body(lei_ref, rei_ref, kei_ref, al_ref, ar_ref, alk_ref,
                 eif, eik, slab, slabk, sem):
    c = jax.lax.axis_index("c")
    s = jax.lax.axis_index("s")
    gid = c * 16 + s

    def build(ei_hbm, ei_vmem, sl, out_hbm, n, e):
        rps = n // _NSUB
        lo = gid * rps

        pltpu.async_copy(ei_hbm, ei_vmem, sem).wait()

        @pl.loop(0, rps)
        def _(r):
            @pl.loop(0, n, step=_LANES)
            def _(cc):
                sl[r, pl.ds(cc, _LANES)] = jnp.zeros((_LANES,), jnp.float32)

        ones = jnp.full((_LANES,), 1.0, jnp.float32)

        @pl.loop(0, e, step=_LANES)
        def _(k):
            sv = ei_vmem[0, pl.ds(k, _LANES)]
            dv = ei_vmem[1, pl.ds(k, _LANES)]
            local = dv - lo
            mask = (dv >= lo) & (dv < lo + rps)
            plsc.addupdate_scatter(sl, [local, sv], ones, mask=mask)

        pltpu.async_copy(sl, out_hbm.at[pl.ds(lo, rps), :], sem).wait()

    build(lei_ref, eif, slab, al_ref, _NL, 2048)
    build(rei_ref, eif, slab, ar_ref, _NL, 2048)
    build(kei_ref, eik, slabk, alk_ref, _N, 1024)


def _build_adjacency_sc(left_ei, right_ei, link_ei):
    import dataclasses
    cp = pltpu.CompilerParams()
    if "needs_layout_passes" in pltpu.CompilerParams.__dataclass_fields__:
        cp = dataclasses.replace(cp, needs_layout_passes=False)
    mesh = plsc.VectorSubcoreMesh(core_axis_name="c", subcore_axis_name="s")
    kfn = pl.kernel(
        _sc_adj_body,
        out_type=[jax.ShapeDtypeStruct((_NL, _NL), jnp.float32),
                  jax.ShapeDtypeStruct((_NL, _NL), jnp.float32),
                  jax.ShapeDtypeStruct((_N, _N), jnp.float32)],
        mesh=mesh,
        scratch_types=[pltpu.VMEM((2, 2048), jnp.int32),
                       pltpu.VMEM((2, 1024), jnp.int32),
                       pltpu.VMEM((_NL // _NSUB, _NL), jnp.float32),
                       pltpu.VMEM((_N // _NSUB, _N), jnp.float32),
                       pltpu.SemaphoreType.DMA],
        compiler_params=cp,
    )
    return kfn(left_ei, right_ei, link_ei)



def _adj_body(ei_ref, a_ref, *, n, e):
    ei = ei_ref[...]
    src = ei[0:1, :]
    dst = ei[1:2, :]
    rows = jax.lax.broadcasted_iota(jnp.int32, (n, e), 0)
    cols = jax.lax.broadcasted_iota(jnp.int32, (e, n), 1)
    oh_d = (rows == dst).astype(jnp.float32)
    oh_s = (src.reshape(e, 1) == cols).astype(jnp.float32)
    a_ref[...] = jax.lax.dot_general(
        oh_d, oh_s, (((1,), (0,)), ((), ())),
        precision=jax.lax.Precision.DEFAULT, preferred_element_type=jnp.float32)


def _build_adj(ei, n):
    e = ei.shape[1]
    return pl.pallas_call(
        functools.partial(_adj_body, n=n, e=e),
        out_shape=jax.ShapeDtypeStruct((n, n), jnp.float32),
    )(ei)



def _prep_body(t_ref, lx_ref, ltype_ref, leftx_ref, rightx_ref,
               al_ref, ar_ref, alk_ref,
               tp0w_ref, tp0b_ref, tp1w_ref, tp1b_ref,
               fin_w_ref, fin_b_ref,
               fc0r_ref, fc0n_ref, fc0b_ref, fn0g_ref, fn0b_ref,
               fc1r_ref, fc1n_ref, fc1b_ref, fn1g_ref, fn1b_ref,
               fc2r_ref, fc2n_ref, fc2b_ref, fn2g_ref, fn2b_ref,
               fout_w_ref, fout_b_ref,
               cp0w_ref, cp0b_ref, cp1w_ref, cp1b_ref,
               ni_w_ref, ni_b_ref,
               nc0r_ref, nc0n_ref, nc0b_ref, nn0g_ref, nn0b_ref,
               nc1r_ref, nc1n_ref, nc1b_ref, nn1g_ref, nn1b_ref,
               nc2r_ref, nc2n_ref, nc2b_ref, nn2g_ref, nn2b_ref,
               nc3r_ref, nc3n_ref, nc3b_ref, nn3g_ref, nn3b_ref,
               ewr_ref, ewc_ref, ewp_ref, eb_ref,
               arow_ref, acol_ref, nctx_ref):
    fconvs = [(fc0r_ref, fc0n_ref, fc0b_ref, fn0g_ref, fn0b_ref),
              (fc1r_ref, fc1n_ref, fc1b_ref, fn1g_ref, fn1b_ref),
              (fc2r_ref, fc2n_ref, fc2b_ref, fn2g_ref, fn2b_ref)]
    nconvs = [(nc0r_ref, nc0n_ref, nc0b_ref, nn0g_ref, nn0b_ref),
              (nc1r_ref, nc1n_ref, nc1b_ref, nn1g_ref, nn1b_ref),
              (nc2r_ref, nc2n_ref, nc2b_ref, nn2g_ref, nn2b_ref),
              (nc3r_ref, nc3n_ref, nc3b_ref, nn3g_ref, nn3b_ref)]

    def frag(fx_ref, a_ref):
        a = a_ref[...]
        deg = jnp.clip(jnp.sum(a, 1, keepdims=True), 1.0, None)
        ahat = a / deg
        h = _dot(fx_ref[...], fin_w_ref[...]) + fin_b_ref[...]
        for wr, wn, b, g, bb in fconvs:
            agg = _dot(_dot_exact(ahat, h), wn[...])
            h = jax.nn.relu(_ln(_dot(h, wr[...]) + agg + b[...], g[...], bb[...]))
        pooled = jnp.mean(h.reshape(_G, _NL // _G, _H), axis=1)
        return _dot(pooled, fout_w_ref[...]) + fout_b_ref[...]

    left_ctx = frag(leftx_ref, al_ref)
    right_ctx = frag(rightx_ref, ar_ref)

    half = _TD // 2
    lane = jax.lax.broadcasted_iota(jnp.int32, (_G, _TD), 1)
    freqs = jnp.exp((lane % half).astype(jnp.float32) * (-math.log(10000.0) / half))
    a = t_ref[...] * freqs
    emb = jnp.where(lane < half, jnp.sin(a), jnp.cos(a))
    time_h = _dot(_silu(_dot(emb, tp0w_ref[...]) + tp0b_ref[...]), tp1w_ref[...]) + tp1b_ref[...]

    cw = cp0w_ref[...]
    u = (_dot(left_ctx, cw[:_H]) + _dot(right_ctx, cw[_H:2 * _H])
         + _dot(time_h, cw[2 * _H:]) + cp0b_ref[...])
    graph_ctx = _dot(_silu(u), cp1w_ref[...]) + cp1b_ref[...]

    node_ctx = jnp.broadcast_to(graph_ctx[:, None, :], (_G, _N // _G, _H)).reshape(_N, _H)

    tt = ltype_ref[...]
    ttc = jnp.clip(tt, 0, _NT - 1)
    oh = (ttc == jax.lax.broadcasted_iota(jnp.int32, (_N, _NT), 1)).astype(jnp.float32)
    isf = (tt > 0).astype(jnp.float32)
    wni = ni_w_ref[...]
    h = (_dot(lx_ref[...], wni[:_F]) + _dot(oh, wni[_F:_F + _NT])
         + isf * wni[_F + _NT] + ni_b_ref[...] + node_ctx)

    alk = alk_ref[...]
    degl = jnp.clip(jnp.sum(alk, 1, keepdims=True), 1.0, None)
    alh = alk / degl
    for wr, wn, b, g, bb in nconvs:
        agg = _dot(_dot_exact(alh, h), wn[...])
        h = jax.nn.relu(_ln(_dot(h, wr[...]) + agg + b[...] + node_ctx, g[...], bb[...]))

    arow_ref[...] = _dot(h, ewr_ref[...]) + _dot(node_ctx, ewp_ref[...]) + eb_ref[...] + node_ctx
    acol_ref[...] = _dot(h, ewc_ref[...])
    nctx_ref[...] = node_ctx



_RB = 32


def _edge_body(ex_ref, arow_ref, acol_ref, nctx_ref,
               we_ref,
               b0w1_ref, b0b1_ref, b0w2_ref, b0b2_ref, n0g_ref, n0b_ref,
               b1w1_ref, b1b1_ref, b1w2_ref, b1b2_ref, n1g_ref, n1b_ref,
               b2w1_ref, b2b1_ref, b2w2_ref, b2b2_ref, n2g_ref, n2b_ref,
               ow_ref, ob_ref,
               out_ref):
    m = _RB * _N
    ex = ex_ref[...].reshape(m, _F)
    he = _dot(ex, we_ref[...])
    he = (he.reshape(_RB, _N, _H) + arow_ref[...][:, None, :]
          + acol_ref[...][None, :, :]).reshape(m, _H)
    pcb = jnp.broadcast_to(nctx_ref[...][:, None, :], (_RB, _N, _H)).reshape(m, _H)
    blocks = [(b0w1_ref, b0b1_ref, b0w2_ref, b0b2_ref, n0g_ref, n0b_ref),
              (b1w1_ref, b1b1_ref, b1w2_ref, b1b2_ref, n1g_ref, n1b_ref),
              (b2w1_ref, b2b1_ref, b2w2_ref, b2b2_ref, n2g_ref, n2b_ref)]
    for w1, b1, w2, b2, g, b in blocks:
        u = _silu(_dot(he, w1[...]) + b1[...])
        he = _dot(u, w2[...]) + b2[...] + pcb
        he = jax.nn.relu(_ln(he, g[...], b[...]))
    out = _dot(he, ow_ref[...]) + ob_ref[...]
    out_ref[...] = out.reshape(_RB, _N, _F)


def _full(shape):
    return pl.BlockSpec(shape, lambda i: tuple(0 for _ in shape))


def kernel(x, t, linker_x, linker_edge_index, linker_batch, linker_node_type,
           linker_graph_ptr, left_x, left_edge_index, left_batch,
           right_x, right_edge_index, right_batch, params):
    p = params
    a_left, a_right, a_link = _build_adjacency_sc(
        left_edge_index.astype(jnp.int32), right_edge_index.astype(jnp.int32),
        linker_edge_index.astype(jnp.int32))

    r2 = lambda v: v.reshape(1, -1)
    fp = p['frag']
    we, be = p['edge_in']
    prep_ins = [
        t.reshape(_G, 1), linker_x, linker_node_type.reshape(_N, 1).astype(jnp.int32),
        left_x, right_x, a_left, a_right, a_link,
        p['time_proj'][0][0], r2(p['time_proj'][0][1]),
        p['time_proj'][1][0], r2(p['time_proj'][1][1]),
        fp['in_proj'][0], r2(fp['in_proj'][1]),
    ]
    for (wr, wn, b), (g, bb) in zip(fp['convs'], fp['norms']):
        prep_ins += [wr, wn, r2(b), r2(g), r2(bb)]
    prep_ins += [fp['out_proj'][0], r2(fp['out_proj'][1]),
                 p['cond_proj'][0][0], r2(p['cond_proj'][0][1]),
                 p['cond_proj'][1][0], r2(p['cond_proj'][1][1]),
                 p['node_in'][0], r2(p['node_in'][1])]
    for (wr, wn, b), (g, bb) in zip(p['node_convs'], p['node_norms']):
        prep_ins += [wr, wn, r2(b), r2(g), r2(bb)]
    prep_ins += [we[_F:_F + _H], we[_F + _H:_F + 2 * _H], we[_F + 2 * _H:], r2(be)]

    a_row, a_col, node_ctx = pl.pallas_call(
        _prep_body,
        out_shape=[jax.ShapeDtypeStruct((_N, _H), jnp.float32)] * 3,
    )(*prep_ins)

    edge_ins = [x.reshape(_N, _N, _F), a_row, a_col, node_ctx, we[:_F]]
    for (l1, l2), (g, bb) in zip(p['edge_blocks'], p['edge_norms']):
        edge_ins += [l1[0], r2(l1[1]), l2[0], r2(l2[1]), r2(g), r2(bb)]
    edge_ins += [p['out'][0], r2(p['out'][1])]

    in_specs = [
        pl.BlockSpec((_RB, _N, _F), lambda i: (i, 0, 0)),
        pl.BlockSpec((_RB, _H), lambda i: (i, 0)),
        _full((_N, _H)),
        pl.BlockSpec((_RB, _H), lambda i: (i, 0)),
        _full((_F, _H)),
    ]
    for _ in range(3):
        in_specs += [_full((_H, _H)), _full((1, _H)), _full((_H, _H)),
                     _full((1, _H)), _full((1, _H)), _full((1, _H))]
    in_specs += [_full((_H, _F)), _full((1, _F))]

    out = pl.pallas_call(
        _edge_body,
        grid=(_N // _RB,),
        in_specs=in_specs,
        out_specs=pl.BlockSpec((_RB, _N, _F), lambda i: (i, 0, 0)),
        out_shape=jax.ShapeDtypeStruct((_N, _N, _F), jnp.float32),
    )(*edge_ins)
    return out[None]

# --- scband reference (transcript-rebuilt; emitter-appended) ---
"""Pipeline reference for scband-fragment-conditioned-edge-denoiser-25314537242761 (READ-ONLY COPY).

The authoritative reference and input builder live on the scoring server;
editing this copy changes nothing except your own understanding.
"""

import math
import jax, jax.numpy as jnp
import numpy as np

N = 256; G = 8; F = 4; H = 128; NT = 3; TD = 128
NL = 512; EL = 2048; ELK = 1024

def _lin_init(key, din, dout):
    k1, k2 = jax.random.split(key)
    w = jax.random.normal(k1, (din, dout), jnp.float32) * (1.0 / np.sqrt(din))
    b = jax.random.normal(k2, (dout,), jnp.float32) * 0.01
    return (w, b)

def _ln_init(d):
    return (jnp.ones((d,), jnp.float32), jnp.zeros((d,), jnp.float32))

def init_params(key):
    keys = iter(jax.random.split(key, 64))
    p = {}
    p['time_proj'] = [_lin_init(next(keys), TD, H), _lin_init(next(keys), H, H)]
    frag = {}
    frag['in_proj'] = _lin_init(next(keys), F, H)
    frag['convs'] = [(_lin_init(next(keys), H, H)[0], _lin_init(next(keys), H, H)[0], jnp.zeros((H,), jnp.float32)) for _ in range(3)]
    frag['norms'] = [_ln_init(H) for _ in range(3)]
    frag['out_proj'] = _lin_init(next(keys), H, H)
    p['frag'] = frag
    p['cond_proj'] = [_lin_init(next(keys), 3 * H, H), _lin_init(next(keys), H, H)]
    p['node_in'] = _lin_init(next(keys), F + NT + 1, H)
    p['node_convs'] = [(_lin_init(next(keys), H, H)[0], _lin_init(next(keys), H, H)[0], jnp.zeros((H,), jnp.float32)) for _ in range(4)]
    p['node_norms'] = [_ln_init(H) for _ in range(4)]
    p['edge_in'] = _lin_init(next(keys), F + 3 * H, H)
    p['edge_blocks'] = [(_lin_init(next(keys), H, H), _lin_init(next(keys), H, H)) for _ in range(3)]
    p['edge_norms'] = [_ln_init(H) for _ in range(3)]
    p['out'] = _lin_init(next(keys), H, F)
    return p

def _linear(x, wb):
    w, b = wb
    return x @ w + b

def _layer_norm(x, gb):
    g, b = gb
    mu = jnp.mean(x, axis=-1, keepdims=True)
    var = jnp.mean((x - mu) ** 2, axis=-1, keepdims=True)
    return (x - mu) / jnp.sqrt(var + 1e-5) * g + b

def _mlp2(x, ps):
    return _linear(jax.nn.silu(_linear(x, ps[0])), ps[1])

def _graph_conv(h, edge_index, p):
    wr, wn, b = p
    src = edge_index[0]
    dst = edge_index[1]
    n = h.shape[0]
    msg = h[src]
    agg = jax.ops.segment_sum(msg, dst, num_segments=n)
    deg = jax.ops.segment_sum(jnp.ones((edge_index.shape[1], 1), h.dtype), dst, num_segments=n)
    agg = agg / jnp.clip(deg, 1.0)
    return h @ wr + agg @ wn + b

def _mean_pool(h, batch, num_graphs):
    pooled = jax.ops.segment_sum(h, batch, num_segments=num_graphs)
    cnt = jax.ops.segment_sum(jnp.ones((h.shape[0], 1), h.dtype), batch, num_segments=num_graphs)
    return pooled / jnp.clip(cnt, 1.0)

def _time_emb(t, dim):
    half = dim // 2
    freqs = jnp.exp(-math.log(10000.0) * jnp.arange(half, dtype=jnp.float32) / half)
    a = t[:, None] * freqs[None, :]
    return jnp.concatenate([jnp.sin(a), jnp.cos(a)], axis=-1)

def _frag_enc(fx, ei, batch, num_graphs, fp):
    h = _linear(fx, fp['in_proj'])
    for cp, npar in zip(fp['convs'], fp['norms']):
        h = _graph_conv(h, ei, cp)
        h = _layer_norm(h, npar)
        h = jax.nn.relu(h)
    pooled = _mean_pool(h, batch, num_graphs)
    return _linear(pooled, fp['out_proj'])

def _forward(x, t, linker_x, left_x, right_x, params, linker_edge_index, linker_batch, linker_node_type, num_graphs, left_edge_index, left_batch, right_edge_index, right_batch):
    edge_x = x[0]
    left_ctx = _frag_enc(left_x, left_edge_index, left_batch, num_graphs, params['frag'])
    right_ctx = _frag_enc(right_x, right_edge_index, right_batch, num_graphs, params['frag'])
    time_h = _mlp2(_time_emb(t, TD), params['time_proj'])
    graph_ctx = _mlp2(jnp.concatenate([left_ctx, right_ctx, time_h], axis=1), params['cond_proj'])
    one_hot = jax.nn.one_hot(jnp.clip(linker_node_type, 0, NT - 1), NT, dtype=linker_x.dtype)
    is_fixed = (linker_node_type > 0).astype(linker_x.dtype)[:, None]
    node_ctx = graph_ctx[linker_batch]
    h = _linear(jnp.concatenate([linker_x, one_hot, is_fixed], axis=1), params['node_in']) + node_ctx
    for cp, npar in zip(params['node_convs'], params['node_norms']):
        h = _graph_conv(h, linker_edge_index, cp) + node_ctx
        h = _layer_norm(h, npar)
        h = jax.nn.relu(h)
    n = h.shape[0]
    row_h = jnp.broadcast_to(h[:, None, :], (n, n, H))
    col_h = jnp.broadcast_to(h[None, :, :], (n, n, H))
    pair_ctx = jnp.broadcast_to(node_ctx[:, None, :], (n, n, H))
    he = _linear(jnp.concatenate([edge_x, row_h, col_h, pair_ctx], axis=-1), params['edge_in']) + pair_ctx
    for blk, nrm in zip(params['edge_blocks'], params['edge_norms']):
        he = _linear(jax.nn.silu(_linear(he, blk[0])), blk[1]) + pair_ctx
        he = _layer_norm(he, nrm)
        he = jax.nn.relu(he)
    out = _linear(he, params['out'])
    return out[None]

def setup_inputs(seed: int = 0):
    key = jax.random.key(seed)
    ks = jax.random.split(key, 16)
    x = jax.random.normal(ks[0], (1, N, N, F), jnp.float32)
    t = jax.random.uniform(ks[1], (G,), jnp.float32)
    linker_x = jax.random.normal(ks[2], (N, F), jnp.float32)
    linker_edge_index = jax.random.randint(ks[3], (2, ELK), 0, N)
    linker_batch = jnp.repeat(jnp.arange(G), N // G)
    linker_node_type = jax.random.randint(ks[4], (N,), 0, NT)
    linker_graph_ptr = jnp.arange(G + 1) * (N // G)
    left_x = jax.random.normal(ks[5], (NL, F), jnp.float32)
    left_edge_index = jax.random.randint(ks[6], (2, EL), 0, NL)
    left_batch = jnp.repeat(jnp.arange(G), NL // G)
    right_x = jax.random.normal(ks[7], (NL, F), jnp.float32)
    right_edge_index = jax.random.randint(ks[8], (2, EL), 0, NL)
    right_batch = jnp.repeat(jnp.arange(G), NL // G)
    params = init_params(ks[9])
    return {'x': x, 't': t, 'linker_x': linker_x, 'linker_edge_index': linker_edge_index, 'linker_batch': linker_batch, 'linker_node_type': linker_node_type, 'linker_graph_ptr': linker_graph_ptr, 'left_x': left_x, 'left_edge_index': left_edge_index, 'left_batch': left_batch, 'right_x': right_x, 'right_edge_index': right_edge_index, 'right_batch': right_batch, 'params': params}

def reference(x, t, linker_x, linker_edge_index, linker_batch, linker_node_type, linker_graph_ptr, left_x, left_edge_index, left_batch, right_x, right_edge_index, right_batch, params):
    num_graphs = int(linker_graph_ptr.shape[0]) - 1
    return _forward(x, t, linker_x, left_x, right_x, params, linker_edge_index, linker_batch, linker_node_type, num_graphs, left_edge_index, left_batch, right_edge_index, right_batch)

if __name__ == "__main__":
    import jax
    _d = setup_inputs()
    print(jax.jit(kernel)(*tuple(_d.values())))

</pallas_src>

<mosaic_0001>
#map = affine_map<(d0, d1) -> (0, 0)>
module attributes {stable_mosaic.version = 14 : i64} {
  func.func @_sc_adj_body(%arg0: i32, %arg1: i32, %arg2: memref<2x2048xi32, #tpu.memory_space<hbm>>, %arg3: memref<2x2048xi32, #tpu.memory_space<hbm>>, %arg4: memref<2x1024xi32, #tpu.memory_space<hbm>>, %arg5: memref<512x512xf32, #tpu.memory_space<hbm>>, %arg6: memref<512x512xf32, #tpu.memory_space<hbm>>, %arg7: memref<256x256xf32, #tpu.memory_space<hbm>>, %arg8: memref<2x2048xi32, #tpu.memory_space<vmem>>, %arg9: memref<2x1024xi32, #tpu.memory_space<vmem>>, %arg10: memref<16x512xf32, #tpu.memory_space<vmem>>, %arg11: memref<8x256xf32, #tpu.memory_space<vmem>>, %arg12: memref<!tpu.dma_semaphore, #tpu.memory_space<semaphore_mem>>) attributes {dimension_semantics = [#tpu.dimension_semantics<core_parallel>, #tpu.dimension_semantics<subcore_parallel>], iteration_bounds = array<i64: 2, 16>, scalar_prefetch = 0 : i64, scratch_operands = 5 : i64, tpu.core_type = #tpu.core_type<sc_vector_subcore>, window_params = [{transform_indices = #map}, {transform_indices = #map}, {transform_indices = #map}, {transform_indices = #map}, {transform_indices = #map}, {transform_indices = #map}]} {
    %mul3A = arith.constant 16 : i32
    %mul3A_0 = arith.muli %arg0, %mul3A : i32
    %add3A = arith.addi %mul3A_0, %arg1 : i32
    %mul3A_1 = arith.constant 16 : i32
    %mul3A_2 = arith.muli %add3A, %mul3A_1 : i32
    tpu.enqueue_dma source(%arg2 : memref<2x2048xi32, #tpu.memory_space<hbm>>) target(%arg8 : memref<2x2048xi32, #tpu.memory_space<vmem>>) target_semaphore(%arg12 : memref<!tpu.dma_semaphore, #tpu.memory_space<semaphore_mem>>)
    tpu.wait_dma2 semaphore(%arg12 : memref<!tpu.dma_semaphore, #tpu.memory_space<semaphore_mem>>) src(%arg2 : memref<2x2048xi32, #tpu.memory_space<hbm>>) dst(%arg8 : memref<2x2048xi32, #tpu.memory_space<vmem>>)
    %scan3A = arith.constant 0 : i32
    %scan3A_3 = arith.constant 16 : i32
    %scan3A_4 = arith.addi %scan3A, %scan3A_3 : i32
    %scan3A_5 = arith.constant 1 : i32
    scf.for %scan3A_63 = %scan3A to %scan3A_4 step %scan3A_5  : i32 {
      %mul3A_64 = arith.constant 1 : i32
      %mul3A_65 = arith.muli %scan3A_63, %mul3A_64 : i32
      %add3A_66 = arith.constant 0 : i32
      %add3A_67 = arith.addi %add3A_66, %mul3A_65 : i32
      %scan3A_68 = arith.constant 0 : i32
      %scan3A_69 = arith.constant 32 : i32
      %scan3A_70 = arith.addi %scan3A_68, %scan3A_69 : i32
      %scan3A_71 = arith.constant 1 : i32
      scf.for %scan3A_73 = %scan3A_68 to %scan3A_70 step %scan3A_71  : i32 {
        %mul3A_74 = arith.constant 16 : i32
        %mul3A_75 = arith.muli %scan3A_73, %mul3A_74 : i32
        %add3A_76 = arith.constant 0 : i32
        %add3A_77 = arith.addi %add3A_76, %mul3A_75 : i32
        %broadcast_in_dim3A_78 = arith.constant 0.000000e+00 : f32
        %broadcast_in_dim3A_79 = vector.broadcast %broadcast_in_dim3A_78 : f32 to vector<16xf32>
        %swap3A = arith.index_cast %add3A_67 : i32 to index
        %swap3A_80 = arith.index_cast %add3A_77 : i32 to index
        %swap3A_81 = tpu.vector_load %arg10[%swap3A, %swap3A_80] {strides = array<i32>} : memref<16x512xf32, #tpu.memory_space<vmem>>, vector<16xf32>,
        tpu.vector_store %arg10[%swap3A, %swap3A_80], %broadcast_in_dim3A_79 {strides = array<i32>} : memref<16x512xf32, #tpu.memory_space<vmem>>, vector<16xf32>,
      }
      %scan3A_72 = arith.constant 32 : i32
    }
    %scan3A_6 = arith.constant 16 : i32
    %broadcast_in_dim3A = arith.constant 1.000000e+00 : f32
    %broadcast_in_dim3A_7 = vector.broadcast %broadcast_in_dim3A : f32 to vector<16xf32>
    %scan3A_8 = arith.constant 0 : i32
    %scan3A_9 = arith.constant 128 : i32
    %scan3A_10 = arith.addi %scan3A_8, %scan3A_9 : i32
    %scan3A_11 = arith.constant 1 : i32
    scf.for %scan3A_63 = %scan3A_8 to %scan3A_10 step %scan3A_11  : i32 {
      %mul3A_64 = arith.constant 16 : i32
      %mul3A_65 = arith.muli %scan3A_63, %mul3A_64 : i32
      %add3A_66 = arith.constant 0 : i32
      %add3A_67 = arith.addi %add3A_66, %mul3A_65 : i32
      %get3A = arith.constant 0 : i32
      %get3A_68 = arith.index_cast %get3A : i32 to index
      %get3A_69 = arith.index_cast %add3A_67 : i32 to index
      %get3A_70 = tpu.vector_load %arg8[%get3A_68, %get3A_69] {strides = array<i32>} : memref<2x2048xi32, #tpu.memory_space<vmem>>, vector<16xi32>,
      %get3A_71 = arith.constant 1 : i32
      %get3A_72 = arith.index_cast %get3A_71 : i32 to index
      %get3A_73 = arith.index_cast %add3A_67 : i32 to index
      %get3A_74 = tpu.vector_load %arg8[%get3A_72, %get3A_73] {strides = array<i32>} : memref<2x2048xi32, #tpu.memory_space<vmem>>, vector<16xi32>,
      %sub3A = vector.broadcast %mul3A_2 : i32 to vector<16xi32>
      %sub3A_75 = arith.subi %get3A_74, %sub3A : vector<16xi32>
      %ge3A = vector.broadcast %mul3A_2 : i32 to vector<16xi32>
      %ge3A_76 = arith.cmpi sge, %get3A_74, %ge3A : vector<16xi32>
      %add3A_77 = arith.constant 16 : i32
      %add3A_78 = arith.addi %mul3A_2, %add3A_77 : i32
      %lt3A = vector.broadcast %add3A_78 : i32 to vector<16xi32>
      %lt3A_79 = arith.cmpi slt, %get3A_74, %lt3A : vector<16xi32>
      %and3A = arith.andi %ge3A_76, %lt3A_79 : vector<16xi1>
      tpu.vector_store_idx %arg10[%sub3A_75, %get3A_70], %broadcast_in_dim3A_7 masked %and3A {add = true} : memref<16x512xf32, #tpu.memory_space<vmem>>[vector<16xi32>, vector<16xi32>], vector<16xf32>, vector<16xi1>
    }
    %scan3A_12 = arith.constant 128 : i32
    %dma_start3A = arith.constant 0 : i32
    %dma_start3A_13 = tpu.memref_slice %arg5[%mul3A_2, %dma_start3A] : memref<512x512xf32, #tpu.memory_space<hbm>> -> memref<16x512xf32, #tpu.memory_space<hbm>>
    %dma_start3A_14 = arith.constant 0 : i32
    %dma_start3A_15 = tpu.memref_slice %arg5[%mul3A_2, %dma_start3A_14] : memref<512x512xf32, #tpu.memory_space<hbm>> -> memref<16x512xf32, #tpu.memory_space<hbm>>
    tpu.enqueue_dma source(%arg10 : memref<16x512xf32, #tpu.memory_space<vmem>>) target(%dma_start3A_15 : memref<16x512xf32, #tpu.memory_space<hbm>>) target_semaphore(%arg12 : memref<!tpu.dma_semaphore, #tpu.memory_space<semaphore_mem>>)
    %dma_wait3A = arith.constant 0 : i32
    %dma_wait3A_16 = tpu.memref_slice %arg5[%mul3A_2, %dma_wait3A] : memref<512x512xf32, #tpu.memory_space<hbm>> -> memref<16x512xf32, #tpu.memory_space<hbm>>
    %dma_wait3A_17 = arith.constant 0 : i32
    %dma_wait3A_18 = tpu.memref_slice %arg5[%mul3A_2, %dma_wait3A_17] : memref<512x512xf32, #tpu.memory_space<hbm>> -> memref<16x512xf32, #tpu.memory_space<hbm>>
    tpu.wait_dma2 semaphore(%arg12 : memref<!tpu.dma_semaphore, #tpu.memory_space<semaphore_mem>>) src(%arg10 : memref<16x512xf32, #tpu.memory_space<vmem>>) dst(%dma_wait3A_18 : memref<16x512xf32, #tpu.memory_space<hbm>>)
    %mul3A_19 = arith.constant 16 : i32
    %mul3A_20 = arith.muli %add3A, %mul3A_19 : i32
    tpu.enqueue_dma source(%arg3 : memref<2x2048xi32, #tpu.memory_space<hbm>>) target(%arg8 : memref<2x2048xi32, #tpu.memory_space<vmem>>) target_semaphore(%arg12 : memref<!tpu.dma_semaphore, #tpu.memory_space<semaphore_mem>>)
    tpu.wait_dma2 semaphore(%arg12 : memref<!tpu.dma_semaphore, #tpu.memory_space<semaphore_mem>>) src(%arg3 : memref<2x2048xi32, #tpu.memory_space<hbm>>) dst(%arg8 : memref<2x2048xi32, #tpu.memory_space<vmem>>)
    %scan3A_21 = arith.constant 0 : i32
    %scan3A_22 = arith.constant 16 : i32
    %scan3A_23 = arith.addi %scan3A_21, %scan3A_22 : i32
    %scan3A_24 = arith.constant 1 : i32
    scf.for %scan3A_63 = %scan3A_21 to %scan3A_23 step %scan3A_24  : i32 {
      %mul3A_64 = arith.constant 1 : i32
      %mul3A_65 = arith.muli %scan3A_63, %mul3A_64 : i32
      %add3A_66 = arith.constant 0 : i32
      %add3A_67 = arith.addi %add3A_66, %mul3A_65 : i32
      %scan3A_68 = arith.constant 0 : i32
      %scan3A_69 = arith.constant 32 : i32
      %scan3A_70 = arith.addi %scan3A_68, %scan3A_69 : i32
      %scan3A_71 = arith.constant 1 : i32
      scf.for %scan3A_73 = %scan3A_68 to %scan3A_70 step %scan3A_71  : i32 {
        %mul3A_74 = arith.constant 16 : i32
        %mul3A_75 = arith.muli %scan3A_73, %mul3A_74 : i32
        %add3A_76 = arith.constant 0 : i32
        %add3A_77 = arith.addi %add3A_76, %mul3A_75 : i32
        %broadcast_in_dim3A_78 = arith.constant 0.000000e+00 : f32
        %broadcast_in_dim3A_79 = vector.broadcast %broadcast_in_dim3A_78 : f32 to vector<16xf32>
        %swap3A = arith.index_cast %add3A_67 : i32 to index
        %swap3A_80 = arith.index_cast %add3A_77 : i32 to index
        %swap3A_81 = tpu.vector_load %arg10[%swap3A, %swap3A_80] {strides = array<i32>} : memref<16x512xf32, #tpu.memory_space<vmem>>, vector<16xf32>,
        tpu.vector_store %arg10[%swap3A, %swap3A_80], %broadcast_in_dim3A_79 {strides = array<i32>} : memref<16x512xf32, #tpu.memory_space<vmem>>, vector<16xf32>,
      }
      %scan3A_72 = arith.constant 32 : i32
    }
    %scan3A_25 = arith.constant 16 : i32
    %broadcast_in_dim3A_26 = arith.constant 1.000000e+00 : f32
    %broadcast_in_dim3A_27 = vector.broadcast %broadcast_in_dim3A_26 : f32 to vector<16xf32>
    %scan3A_28 = arith.constant 0 : i32
    %scan3A_29 = arith.constant 128 : i32
    %scan3A_30 = arith.addi %scan3A_28, %scan3A_29 : i32
    %scan3A_31 = arith.constant 1 : i32
    scf.for %scan3A_63 = %scan3A_28 to %scan3A_30 step %scan3A_31  : i32 {
      %mul3A_64 = arith.constant 16 : i32
      %mul3A_65 = arith.muli %scan3A_63, %mul3A_64 : i32
      %add3A_66 = arith.constant 0 : i32
      %add3A_67 = arith.addi %add3A_66, %mul3A_65 : i32
      %get3A = arith.constant 0 : i32
      %get3A_68 = arith.index_cast %get3A : i32 to index
      %get3A_69 = arith.index_cast %add3A_67 : i32 to index
      %get3A_70 = tpu.vector_load %arg8[%get3A_68, %get3A_69] {strides = array<i32>} : memref<2x2048xi32, #tpu.memory_space<vmem>>, vector<16xi32>,
      %get3A_71 = arith.constant 1 : i32
      %get3A_72 = arith.index_cast %get3A_71 : i32 to index
      %get3A_73 = arith.index_cast %add3A_67 : i32 to index
      %get3A_74 = tpu.vector_load %arg8[%get3A_72, %get3A_73] {strides = array<i32>} : memref<2x2048xi32, #tpu.memory_space<vmem>>, vector<16xi32>,
      %sub3A = vector.broadcast %mul3A_20 : i32 to vector<16xi32>
      %sub3A_75 = arith.subi %get3A_74, %sub3A : vector<16xi32>
      %ge3A = vector.broadcast %mul3A_20 : i32 to vector<16xi32>
      %ge3A_76 = arith.cmpi sge, %get3A_74, %ge3A : vector<16xi32>
      %add3A_77 = arith.constant 16 : i32
      %add3A_78 = arith.addi %mul3A_20, %add3A_77 : i32
      %lt3A = vector.broadcast %add3A_78 : i32 to vector<16xi32>
      %lt3A_79 = arith.cmpi slt, %get3A_74, %lt3A : vector<16xi32>
      %and3A = arith.andi %ge3A_76, %lt3A_79 : vector<16xi1>
      tpu.vector_store_idx %arg10[%sub3A_75, %get3A_70], %broadcast_in_dim3A_27 masked %and3A {add = true} : memref<16x512xf32, #tpu.memory_space<vmem>>[vector<16xi32>, vector<16xi32>], vector<16xf32>, vector<16xi1>
    }
    %scan3A_32 = arith.constant 128 : i32
    %dma_start3A_33 = arith.constant 0 : i32
    %dma_start3A_34 = tpu.memref_slice %arg6[%mul3A_20, %dma_start3A_33] : memref<512x512xf32, #tpu.memory_space<hbm>> -> memref<16x512xf32, #tpu.memory_space<hbm>>
    %dma_start3A_35 = arith.constant 0 : i32
    %dma_start3A_36 = tpu.memref_slice %arg6[%mul3A_20, %dma_start3A_35] : memref<512x512xf32, #tpu.memory_space<hbm>> -> memref<16x512xf32, #tpu.memory_space<hbm>>
    tpu.enqueue_dma source(%arg10 : memref<16x512xf32, #tpu.memory_space<vmem>>) target(%dma_start3A_36 : memref<16x512xf32, #tpu.memory_space<hbm>>) target_semaphore(%arg12 : memref<!tpu.dma_semaphore, #tpu.memory_space<semaphore_mem>>)
    %dma_wait3A_37 = arith.constant 0 : i32
    %dma_wait3A_38 = tpu.memref_slice %arg6[%mul3A_20, %dma_wait3A_37] : memref<512x512xf32, #tpu.memory_space<hbm>> -> memref<16x512xf32, #tpu.memory_space<hbm>>
    %dma_wait3A_39 = arith.constant 0 : i32
    %dma_wait3A_40 = tpu.memref_slice %arg6[%mul3A_20, %dma_wait3A_39] : memref<512x512xf32, #tpu.memory_space<hbm>> -> memref<16x512xf32, #tpu.memory_space<hbm>>
    tpu.wait_dma2 semaphore(%arg12 : memref<!tpu.dma_semaphore, #tpu.memory_space<semaphore_mem>>) src(%arg10 : memref<16x512xf32, #tpu.memory_space<vmem>>) dst(%dma_wait3A_40 : memref<16x512xf32, #tpu.memory_space<hbm>>)
    %mul3A_41 = arith.constant 8 : i32
    %mul3A_42 = arith.muli %add3A, %mul3A_41 : i32
    tpu.enqueue_dma source(%arg4 : memref<2x1024xi32, #tpu.memory_space<hbm>>) target(%arg9 : memref<2x1024xi32, #tpu.memory_space<vmem>>) target_semaphore(%arg12 : memref<!tpu.dma_semaphore, #tpu.memory_space<semaphore_mem>>)
    tpu.wait_dma2 semaphore(%arg12 : memref<!tpu.dma_semaphore, #tpu.memory_space<semaphore_mem>>) src(%arg4 : memref<2x1024xi32, #tpu.memory_space<hbm>>) dst(%arg9 : memref<2x1024xi32, #tpu.memory_space<vmem>>)
    %scan3A_43 = arith.constant 0 : i32
    %scan3A_44 = arith.constant 8 : i32
    %scan3A_45 = arith.addi %scan3A_43, %scan3A_44 : i32
    %scan3A_46 = arith.constant 1 : i32
    scf.for %scan3A_63 = %scan3A_43 to %scan3A_45 step %scan3A_46  : i32 {
      %mul3A_64 = arith.constant 1 : i32
      %mul3A_65 = arith.muli %scan3A_63, %mul3A_64 : i32
      %add3A_66 = arith.constant 0 : i32
      %add3A_67 = arith.addi %add3A_66, %mul3A_65 : i32
      %scan3A_68 = arith.constant 0 : i32
      %scan3A_69 = arith.constant 16 : i32
      %scan3A_70 = arith.addi %scan3A_68, %scan3A_69 : i32
      %scan3A_71 = arith.constant 1 : i32
      scf.for %scan3A_73 = %scan3A_68 to %scan3A_70 step %scan3A_71  : i32 {
        %mul3A_74 = arith.constant 16 : i32
        %mul3A_75 = arith.muli %scan3A_73, %mul3A_74 : i32
        %add3A_76 = arith.constant 0 : i32
        %add3A_77 = arith.addi %add3A_76, %mul3A_75 : i32
        %broadcast_in_dim3A_78 = arith.constant 0.000000e+00 : f32
        %broadcast_in_dim3A_79 = vector.broadcast %broadcast_in_dim3A_78 : f32 to vector<16xf32>
        %swap3A = arith.index_cast %add3A_67 : i32 to index
        %swap3A_80 = arith.index_cast %add3A_77 : i32 to index
        %swap3A_81 = tpu.vector_load %arg11[%swap3A, %swap3A_80] {strides = array<i32>} : memref<8x256xf32, #tpu.memory_space<vmem>>, vector<16xf32>,
        tpu.vector_store %arg11[%swap3A, %swap3A_80], %broadcast_in_dim3A_79 {strides = array<i32>} : memref<8x256xf32, #tpu.memory_space<vmem>>, vector<16xf32>,
      }
      %scan3A_72 = arith.constant 16 : i32
    }
    %scan3A_47 = arith.constant 8 : i32
    %broadcast_in_dim3A_48 = arith.constant 1.000000e+00 : f32
    %broadcast_in_dim3A_49 = vector.broadcast %broadcast_in_dim3A_48 : f32 to vector<16xf32>
    %scan3A_50 = arith.constant 0 : i32
    %scan3A_51 = arith.constant 64 : i32
    %scan3A_52 = arith.addi %scan3A_50, %scan3A_51 : i32
    %scan3A_53 = arith.constant 1 : i32
    scf.for %scan3A_63 = %scan3A_50 to %scan3A_52 step %scan3A_53  : i32 {
      %mul3A_64 = arith.constant 16 : i32
      %mul3A_65 = arith.muli %scan3A_63, %mul3A_64 : i32
      %add3A_66 = arith.constant 0 : i32
      %add3A_67 = arith.addi %add3A_66, %mul3A_65 : i32
      %get3A = arith.constant 0 : i32
      %get3A_68 = arith.index_cast %get3A : i32 to index
      %get3A_69 = arith.index_cast %add3A_67 : i32 to index
      %get3A_70 = tpu.vector_load %arg9[%get3A_68, %get3A_69] {strides = array<i32>} : memref<2x1024xi32, #tpu.memory_space<vmem>>, vector<16xi32>,
      %get3A_71 = arith.constant 1 : i32
      %get3A_72 = arith.index_cast %get3A_71 : i32 to index
      %get3A_73 = arith.index_cast %add3A_67 : i32 to index
      %get3A_74 = tpu.vector_load %arg9[%get3A_72, %get3A_73] {strides = array<i32>} : memref<2x1024xi32, #tpu.memory_space<vmem>>, vector<16xi32>,
      %sub3A = vector.broadcast %mul3A_42 : i32 to vector<16xi32>
      %sub3A_75 = arith.subi %get3A_74, %sub3A : vector<16xi32>
      %ge3A = vector.broadcast %mul3A_42 : i32 to vector<16xi32>
      %ge3A_76 = arith.cmpi sge, %get3A_74, %ge3A : vector<16xi32>
      %add3A_77 = arith.constant 8 : i32
      %add3A_78 = arith.addi %mul3A_42, %add3A_77 : i32
      %lt3A = vector.broadcast %add3A_78 : i32 to vector<16xi32>
      %lt3A_79 = arith.cmpi slt, %get3A_74, %lt3A : vector<16xi32>
      %and3A = arith.andi %ge3A_76, %lt3A_79 : vector<16xi1>
      tpu.vector_store_idx %arg11[%sub3A_75, %get3A_70], %broadcast_in_dim3A_49 masked %and3A {add = true} : memref<8x256xf32, #tpu.memory_space<vmem>>[vector<16xi32>, vector<16xi32>], vector<16xf32>, vector<16xi1>
    }
    %scan3A_54 = arith.constant 64 : i32
    %dma_start3A_55 = arith.constant 0 : i32
    %dma_start3A_56 = tpu.memref_slice %arg7[%mul3A_42, %dma_start3A_55] : memref<256x256xf32, #tpu.memory_space<hbm>> -> memref<8x256xf32, #tpu.memory_space<hbm>>
    %dma_start3A_57 = arith.constant 0 : i32
    %dma_start3A_58 = tpu.memref_slice %arg7[%mul3A_42, %dma_start3A_57] : memref<256x256xf32, #tpu.memory_space<hbm>> -> memref<8x256xf32, #tpu.memory_space<hbm>>
    tpu.enqueue_dma source(%arg11 : memref<8x256xf32, #tpu.memory_space<vmem>>) target(%dma_start3A_58 : memref<8x256xf32, #tpu.memory_space<hbm>>) target_semaphore(%arg12 : memref<!tpu.dma_semaphore, #tpu.memory_space<semaphore_mem>>)
    %dma_wait3A_59 = arith.constant 0 : i32
    %dma_wait3A_60 = tpu.memref_slice %arg7[%mul3A_42, %dma_wait3A_59] : memref<256x256xf32, #tpu.memory_space<hbm>> -> memref<8x256xf32, #tpu.memory_space<hbm>>
    %dma_wait3A_61 = arith.constant 0 : i32
    %dma_wait3A_62 = tpu.memref_slice %arg7[%mul3A_42, %dma_wait3A_61] : memref<256x256xf32, #tpu.memory_space<hbm>> -> memref<8x256xf32, #tpu.memory_space<hbm>>
    tpu.wait_dma2 semaphore(%arg12 : memref<!tpu.dma_semaphore, #tpu.memory_space<semaphore_mem>>) src(%arg11 : memref<8x256xf32, #tpu.memory_space<vmem>>) dst(%dma_wait3A_62 : memref<8x256xf32, #tpu.memory_space<hbm>>)
    return
  }
}

module attributes {stable_mosaic.version = 14 : i64} {
  func.func @_prep_body(%arg0: memref<8x1xf32, #tpu.memory_space<vmem>>, %arg1: memref<256x4xf32, #tpu.memory_space<vmem>>, %arg2: memref<256x1xi32, #tpu.memory_space<vmem>>, %arg3: memref<512x4xf32, #tpu.memory_space<vmem>>, %arg4: memref<512x4xf32, #tpu.memory_space<vmem>>, %arg5: memref<512x512xf32, #tpu.memory_space<vmem>>, %arg6: memref<512x512xf32, #tpu.memory_space<vmem>>, %arg7: memref<256x256xf32, #tpu.memory_space<vmem>>, %arg8: memref<128x128xf32, #tpu.memory_space<vmem>>, %arg9: memref<1x128xf32, #tpu.memory_space<vmem>>, %arg10: memref<128x128xf32, #tpu.memory_space<vmem>>, %arg11: memref<1x128xf32, #tpu.memory_space<vmem>>, %arg12: memref<4x128xf32, #tpu.memory_space<vmem>>, %arg13: memref<1x128xf32, #tpu.memory_space<vmem>>, %arg14: memref<128x128xf32, #tpu.memory_space<vmem>>, %arg15: memref<128x128xf32, #tpu.memory_space<vmem>>, %arg16: memref<1x128xf32, #tpu.memory_space<vmem>>, %arg17: memref<1x128xf32, #tpu.memory_space<vmem>>, %arg18: memref<1x128xf32, #tpu.memory_space<vmem>>, %arg19: memref<128x128xf32, #tpu.memory_space<vmem>>, %arg20: memref<128x128xf32, #tpu.memory_space<vmem>>, %arg21: memref<1x128xf32, #tpu.memory_space<vmem>>, %arg22: memref<1x128xf32, #tpu.memory_space<vmem>>, %arg23: memref<1x128xf32, #tpu.memory_space<vmem>>, %arg24: memref<128x128xf32, #tpu.memory_space<vmem>>, %arg25: memref<128x128xf32, #tpu.memory_space<vmem>>, %arg26: memref<1x128xf32, #tpu.memory_space<vmem>>, %arg27: memref<1x128xf32, #tpu.memory_space<vmem>>, %arg28: memref<1x128xf32, #tpu.memory_space<vmem>>, %arg29: memref<128x128xf32, #tpu.memory_space<vmem>>, %arg30: memref<1x128xf32, #tpu.memory_space<vmem>>, %arg31: memref<384x128xf32, #tpu.memory_space<vmem>>, %arg32: memref<1x128xf32, #tpu.memory_space<vmem>>, %arg33: memref<128x128xf32, #tpu.memory_space<vmem>>, %arg34: memref<1x128xf32, #tpu.memory_space<vmem>>, %arg35: memref<8x128xf32, #tpu.memory_space<vmem>>, %arg36: memref<1x128xf32, #tpu.memory_space<vmem>>, %arg37: memref<128x128xf32, #tpu.memory_space<vmem>>, %arg38: memref<128x128xf32, #tpu.memory_space<vmem>>, %arg39: memref<1x128xf32, #tpu.memory_space<vmem>>, %arg40: memref<1x128xf32, #tpu.memory_space<vmem>>, %arg41: memref<1x128xf32, #tpu.memory_space<vmem>>, %arg42: memref<128x128xf32, #tpu.memory_space<vmem>>, %arg43: memref<128x128xf32, #tpu.memory_space<vmem>>, %arg44: memref<1x128xf32, #tpu.memory_space<vmem>>, %arg45: memref<1x128xf32, #tpu.memory_space<vmem>>, %arg46: memref<1x128xf32, #tpu.memory_space<vmem>>, %arg47: memref<128x128xf32, #tpu.memory_space<vmem>>, %arg48: memref<128x128xf32, #tpu.memory_space<vmem>>, %arg49: memref<1x128xf32, #tpu.memory_space<vmem>>, %arg50: memref<1x128xf32, #tpu.memory_space<vmem>>, %arg51: memref<1x128xf32, #tpu.memory_space<vmem>>, %arg52: memref<128x128xf32, #tpu.memory_space<vmem>>, %arg53: memref<128x128xf32, #tpu.memory_space<vmem>>, %arg54: memref<1x128xf32, #tpu.memory_space<vmem>>, %arg55: memref<1x128xf32, #tpu.memory_space<vmem>>, %arg56: memref<1x128xf32, #tpu.memory_space<vmem>>, %arg57: memref<128x128xf32, #tpu.memory_space<vmem>>, %arg58: memref<128x128xf32, #tpu.memory_space<vmem>>, %arg59: memref<128x128xf32, #tpu.memory_space<vmem>>, %arg60: memref<1x128xf32, #tpu.memory_space<vmem>>, %arg61: memref<256x128xf32, #tpu.memory_space<vmem>>, %arg62: memref<256x128xf32, #tpu.memory_space<vmem>>, %arg63: memref<256x128xf32, #tpu.memory_space<vmem>>) attributes {dimension_semantics = [], scalar_prefetch = 0 : i64, scratch_operands = 0 : i64, tpu.core_type = #tpu.core_type<tc>} {
    %get3A = arith.constant 0 : index
    %get3A_0 = arith.constant 0 : index
    %get3A_1 = vector.load %arg5[%get3A, %get3A_0] : memref<512x512xf32, #tpu.memory_space<vmem>>, vector<512x512xf32>
    %reduce_sum3A = arith.constant dense<0.000000e+00> : vector<512xf32>
    %reduce_sum3A_2 = vector.multi_reduction <add>, %get3A_1, %reduce_sum3A [1] : vector<512x512xf32> to vector<512xf32>
    %broadcast_in_dim3A = vector.shape_cast %reduce_sum3A_2 : vector<512xf32> to vector<512x1xf32>
    %jit3A = arith.constant 1.000000e+00 : f32
    %max3A = vector.broadcast %jit3A : f32 to vector<512x1xf32>
    %max3A_3 = arith.maximumf %max3A, %broadcast_in_dim3A : vector<512x1xf32>
    %div3A = vector.broadcast %max3A_3 : vector<512x1xf32> to vector<512x512xf32>
    %div3A_4 = arith.divf %get3A_1, %div3A : vector<512x512xf32>
    %get3A_5 = arith.constant 0 : index
    %get3A_6 = arith.constant 0 : index
    %get3A_7 = vector.load %arg3[%get3A_5, %get3A_6] : memref<512x4xf32, #tpu.memory_space<vmem>>, vector<512x4xf32>
    %get3A_8 = arith.constant 0 : index
    %get3A_9 = arith.constant 0 : index
    %get3A_10 = vector.load %arg12[%get3A_8, %get3A_9] : memref<4x128xf32, #tpu.memory_space<vmem>>, vector<4x128xf32>
    %dot_general3A = arith.constant dense<0.000000e+00> : vector<512x128xf32>
    %dot_general3A_11 = tpu.matmul %get3A_7, %get3A_10, %dot_general3A {dimension_numbers = #tpu.dot_dimension_numbers<[1], [0], [0], [1], [0, 0, 1, 1], [], []>, transpose_lhs_hint = false} : vector<512x4xf32>, vector<4x128xf32>, vector<512x128xf32> -> vector<512x128xf32>
    %get3A_12 = arith.constant 0 : index
    %get3A_13 = arith.constant 0 : index
    %get3A_14 = vector.load %arg13[%get3A_12, %get3A_13] : memref<1x128xf32, #tpu.memory_space<vmem>>, vector<1x128xf32>
    %add3A = vector.broadcast %get3A_14 : vector<1x128xf32> to vector<512x128xf32>
    %add3A_15 = arith.addf %dot_general3A_11, %add3A : vector<512x128xf32>
    %dot_general3A_16 = arith.constant dense<0.000000e+00> : vector<512x128xf32>
    %dot_general3A_17 = tpu.matmul %div3A_4, %add3A_15, %dot_general3A_16 {dimension_numbers = #tpu.dot_dimension_numbers<[1], [0], [0], [1], [0, 0, 1, 1], [], []>, precision = #tpu.contract_precision<fp32>, transpose_lhs_hint = false} : vector<512x512xf32>, vector<512x128xf32>, vector<512x128xf32> -> vector<512x128xf32>
    %get3A_18 = arith.constant 0 : index
    %get3A_19 = arith.constant 0 : index
    %get3A_20 = vector.load %arg15[%get3A_18, %get3A_19] : memref<128x128xf32, #tpu.memory_space<vmem>>, vector<128x128xf32>
    %dot_general3A_21 = arith.constant dense<0.000000e+00> : vector<512x128xf32>
    %dot_general3A_22 = tpu.matmul %dot_general3A_17, %get3A_20, %dot_general3A_21 {dimension_numbers = #tpu.dot_dimension_numbers<[1], [0], [0], [1], [0, 0, 1, 1], [], []>, transpose_lhs_hint = false} : vector<512x128xf32>, vector<128x128xf32>, vector<512x128xf32> -> vector<512x128xf32>
    %get3A_23 = arith.constant 0 : index
    %get3A_24 = arith.constant 0 : index
    %get3A_25 = vector.load %arg14[%get3A_23, %get3A_24] : memref<128x128xf32, #tpu.memory_space<vmem>>, vector<128x128xf32>
    %dot_general3A_26 = arith.constant dense<0.000000e+00> : vector<512x128xf32>
    %dot_general3A_27 = tpu.matmul %add3A_15, %get3A_25, %dot_general3A_26 {dimension_numbers = #tpu.dot_dimension_numbers<[1], [0], [0], [1], [0, 0, 1, 1], [], []>, transpose_lhs_hint = false} : vector<512x128xf32>, vector<128x128xf32>, vector<512x128xf32> -> vector<512x128xf32>
    %add3A_28 = arith.addf %dot_general3A_27, %dot_general3A_22 : vector<512x128xf32>
    %get3A_29 = arith.constant 0 : index
    %get3A_30 = arith.constant 0 : index
    %get3A_31 = vector.load %arg16[%get3A_29, %get3A_30] : memref<1x128xf32, #tpu.memory_space<vmem>>, vector<1x128xf32>
    %add3A_32 = vector.broadcast %get3A_31 : vector<1x128xf32> to vector<512x128xf32>
    %add3A_33 = arith.addf %add3A_28, %add3A_32 : vector<512x128xf32>
    %get3A_34 = arith.constant 0 : index
    %get3A_35 = arith.constant 0 : index
    %get3A_36 = vector.load %arg17[%get3A_34, %get3A_35] : memref<1x128xf32, #tpu.memory_space<vmem>>, vector<1x128xf32>
    %get3A_37 = arith.constant 0 : index
    %get3A_38 = arith.constant 0 : index
    %get3A_39 = vector.load %arg18[%get3A_37, %get3A_38] : memref<1x128xf32, #tpu.memory_space<vmem>>, vector<1x128xf32>
    %reduce_sum3A_40 = arith.constant dense<0.000000e+00> : vector<512xf32>
    %reduce_sum3A_41 = vector.multi_reduction <add>, %add3A_33, %reduce_sum3A_40 [1] : vector<512x128xf32> to vector<512xf32>
    %broadcast_in_dim3A_42 = vector.shape_cast %reduce_sum3A_41 : vector<512xf32> to vector<512x1xf32>
    %div3A_43 = arith.constant 1.280000e+02 : f32
    %div3A_44 = vector.broadcast %div3A_43 : f32 to vector<512x1xf32>
    %div3A_45 = arith.divf %broadcast_in_dim3A_42, %div3A_44 : vector<512x1xf32>
    %sub3A = vector.broadcast %div3A_45 : vector<512x1xf32> to vector<512x128xf32>
    %sub3A_46 = arith.subf %add3A_33, %sub3A : vector<512x128xf32>
    %integer_pow3A = arith.mulf %sub3A_46, %sub3A_46 : vector<512x128xf32>
    %reduce_sum3A_47 = arith.constant dense<0.000000e+00> : vector<512xf32>
    %reduce_sum3A_48 = vector.multi_reduction <add>, %integer_pow3A, %reduce_sum3A_47 [1] : vector<512x128xf32> to vector<512xf32>
    %broadcast_in_dim3A_49 = vector.shape_cast %reduce_sum3A_48 : vector<512xf32> to vector<512x1xf32>
    %div3A_50 = arith.constant 1.280000e+02 : f32
    %div3A_51 = vector.broadcast %div3A_50 : f32 to vector<512x1xf32>
    %div3A_52 = arith.divf %broadcast_in_dim3A_49, %div3A_51 : vector<512x1xf32>
    %sub3A_53 = vector.broadcast %div3A_45 : vector<512x1xf32> to vector<512x128xf32>
    %sub3A_54 = arith.subf %add3A_33, %sub3A_53 : vector<512x128xf32>
    %add3A_55 = arith.constant 9.99999974E-6 : f32
    %add3A_56 = vector.broadcast %add3A_55 : f32 to vector<512x1xf32>
    %add3A_57 = arith.addf %div3A_52, %add3A_56 : vector<512x1xf32>
    %rsqrt3A = math.rsqrt %add3A_57 : vector<512x1xf32>
    %mul3A = vector.broadcast %rsqrt3A : vector<512x1xf32> to vector<512x128xf32>
    %mul3A_58 = arith.mulf %sub3A_54, %mul3A : vector<512x128xf32>
    %mul3A_59 = vector.broadcast %get3A_36 : vector<1x128xf32> to vector<512x128xf32>
    %mul3A_60 = arith.mulf %mul3A_58, %mul3A_59 : vector<512x128xf32>
    %add3A_61 = vector.broadcast %get3A_39 : vector<1x128xf32> to vector<512x128xf32>
    %add3A_62 = arith.addf %mul3A_60, %add3A_61 : vector<512x128xf32>
    %max3A_63 = arith.constant 0.000000e+00 : f32
    %max3A_64 = vector.broadcast %max3A_63 : f32 to vector<512x128xf32>
    %max3A_65 = arith.maximumf %add3A_62, %max3A_64 : vector<512x128xf32>
    %dot_general3A_66 = arith.constant dense<0.000000e+00> : vector<512x128xf32>
    %dot_general3A_67 = tpu.matmul %div3A_4, %max3A_65, %dot_general3A_66 {dimension_numbers = #tpu.dot_dimension_numbers<[1], [0], [0], [1], [0, 0, 1, 1], [], []>, precision = #tpu.contract_precision<fp32>, transpose_lhs_hint = false} : vector<512x512xf32>, vector<512x128xf32>, vector<512x128xf32> -> vector<512x128xf32>
    %get3A_68 = arith.constant 0 : index
    %get3A_69 = arith.constant 0 : index
    %get3A_70 = vector.load %arg20[%get3A_68, %get3A_69] : memref<128x128xf32, #tpu.memory_space<vmem>>, vector<128x128xf32>
    %dot_general3A_71 = arith.constant dense<0.000000e+00> : vector<512x128xf32>
    %dot_general3A_72 = tpu.matmul %dot_general3A_67, %get3A_70, %dot_general3A_71 {dimension_numbers = #tpu.dot_dimension_numbers<[1], [0], [0], [1], [0, 0, 1, 1], [], []>, transpose_lhs_hint = false} : vector<512x128xf32>, vector<128x128xf32>, vector<512x128xf32> -> vector<512x128xf32>
    %get3A_73 = arith.constant 0 : index
    %get3A_74 = arith.constant 0 : index
    %get3A_75 = vector.load %arg19[%get3A_73, %get3A_74] : memref<128x128xf32, #tpu.memory_space<vmem>>, vector<128x128xf32>
    %dot_general3A_76 = arith.constant dense<0.000000e+00> : vector<512x128xf32>
    %dot_general3A_77 = tpu.matmul %max3A_65, %get3A_75, %dot_general3A_76 {dimension_numbers = #tpu.dot_dimension_numbers<[1], [0], [0], [1], [0, 0, 1, 1], [], []>, transpose_lhs_hint = false} : vector<512x128xf32>, vector<128x128xf32>, vector<512x128xf32> -> vector<512x128xf32>
    %add3A_78 = arith.addf %dot_general3A_77, %dot_general3A_72 : vector<512x128xf32>
    %get3A_79 = arith.constant 0 : index
    %get3A_80 = arith.constant 0 : index
    %get3A_81 = vector.load %arg21[%get3A_79, %get3A_80] : memref<1x128xf32, #tpu.memory_space<vmem>>, vector<1x128xf32>
    %add3A_82 = vector.broadcast %get3A_81 : vector<1x128xf32> to vector<512x128xf32>
    %add3A_83 = arith.addf %add3A_78, %add3A_82 : vector<512x128xf32>
    %get3A_84 = arith.constant 0 : index
    %get3A_85 = arith.constant 0 : index
    %get3A_86 = vector.load %arg22[%get3A_84, %get3A_85] : memref<1x128xf32, #tpu.memory_space<vmem>>, vector<1x128xf32>
    %get3A_87 = arith.constant 0 : index
    %get3A_88 = arith.constant 0 : index
    %get3A_89 = vector.load %arg23[%get3A_87, %get3A_88] : memref<1x128xf32, #tpu.memory_space<vmem>>, vector<1x128xf32>
    %reduce_sum3A_90 = arith.constant dense<0.000000e+00> : vector<512xf32>
    %reduce_sum3A_91 = vector.multi_reduction <add>, %add3A_83, %reduce_sum3A_90 [1] : vector<512x128xf32> to vector<512xf32>
    %broadcast_in_dim3A_92 = vector.shape_cast %reduce_sum3A_91 : vector<512xf32> to vector<512x1xf32>
    %div3A_93 = arith.constant 1.280000e+02 : f32
    %div3A_94 = vector.broadcast %div3A_93 : f32 to vector<512x1xf32>
    %div3A_95 = arith.divf %broadcast_in_dim3A_92, %div3A_94 : vector<512x1xf32>
    %sub3A_96 = vector.broadcast %div3A_95 : vector<512x1xf32> to vector<512x128xf32>
    %sub3A_97 = arith.subf %add3A_83, %sub3A_96 : vector<512x128xf32>
    %integer_pow3A_98 = arith.mulf %sub3A_97, %sub3A_97 : vector<512x128xf32>
    %reduce_sum3A_99 = arith.constant dense<0.000000e+00> : vector<512xf32>
    %reduce_sum3A_100 = vector.multi_reduction <add>, %integer_pow3A_98, %reduce_sum3A_99 [1] : vector<512x128xf32> to vector<512xf32>
    %broadcast_in_dim3A_101 = vector.shape_cast %reduce_sum3A_100 : vector<512xf32> to vector<512x1xf32>
    %div3A_102 = arith.constant 1.280000e+02 : f32
    %div3A_103 = vector.broadcast %div3A_102 : f32 to vector<512x1xf32>
    %div3A_104 = arith.divf %broadcast_in_dim3A_101, %div3A_103 : vector<512x1xf32>
    %sub3A_105 = vector.broadcast %div3A_95 : vector<512x1xf32> to vector<512x128xf32>
    %sub3A_106 = arith.subf %add3A_83, %sub3A_105 : vector<512x128xf32>
    %add3A_107 = arith.constant 9.99999974E-6 : f32
    %add3A_108 = vector.broadcast %add3A_107 : f32 to vector<512x1xf32>
    %add3A_109 = arith.addf %div3A_104, %add3A_108 : vector<512x1xf32>
    %rsqrt3A_110 = math.rsqrt %add3A_109 : vector<512x1xf32>
    %mul3A_111 = vector.broadcast %rsqrt3A_110 : vector<512x1xf32> to vector<512x128xf32>
    %mul3A_112 = arith.mulf %sub3A_106, %mul3A_111 : vector<512x128xf32>
    %mul3A_113 = vector.broadcast %get3A_86 : vector<1x128xf32> to vector<512x128xf32>
    %mul3A_114 = arith.mulf %mul3A_112, %mul3A_113 : vector<512x128xf32>
    %add3A_115 = vector.broadcast %get3A_89 : vector<1x128xf32> to vector<512x128xf32>
    %add3A_116 = arith.addf %mul3A_114, %add3A_115 : vector<512x128xf32>
    %max3A_117 = arith.constant 0.000000e+00 : f32
    %max3A_118 = vector.broadcast %max3A_117 : f32 to vector<512x128xf32>
    %max3A_119 = arith.maximumf %add3A_116, %max3A_118 : vector<512x128xf32>
    %dot_general3A_120 = arith.constant dense<0.000000e+00> : vector<512x128xf32>
    %dot_general3A_121 = tpu.matmul %div3A_4, %max3A_119, %dot_general3A_120 {dimension_numbers = #tpu.dot_dimension_numbers<[1], [0], [0], [1], [0, 0, 1, 1], [], []>, precision = #tpu.contract_precision<fp32>, transpose_lhs_hint = false} : vector<512x512xf32>, vector<512x128xf32>, vector<512x128xf32> -> vector<512x128xf32>
    %get3A_122 = arith.constant 0 : index
    %get3A_123 = arith.constant 0 : index
    %get3A_124 = vector.load %arg25[%get3A_122, %get3A_123] : memref<128x128xf32, #tpu.memory_space<vmem>>, vector<128x128xf32>
    %dot_general3A_125 = arith.constant dense<0.000000e+00> : vector<512x128xf32>
    %dot_general3A_126 = tpu.matmul %dot_general3A_121, %get3A_124, %dot_general3A_125 {dimension_numbers = #tpu.dot_dimension_numbers<[1], [0], [0], [1], [0, 0, 1, 1], [], []>, transpose_lhs_hint = false} : vector<512x128xf32>, vector<128x128xf32>, vector<512x128xf32> -> vector<512x128xf32>
    %get3A_127 = arith.constant 0 : index
    %get3A_128 = arith.constant 0 : index
    %get3A_129 = vector.load %arg24[%get3A_127, %get3A_128] : memref<128x128xf32, #tpu.memory_space<vmem>>, vector<128x128xf32>
    %dot_general3A_130 = arith.constant dense<0.000000e+00> : vector<512x128xf32>
    %dot_general3A_131 = tpu.matmul %max3A_119, %get3A_129, %dot_general3A_130 {dimension_numbers = #tpu.dot_dimension_numbers<[1], [0], [0], [1], [0, 0, 1, 1], [], []>, transpose_lhs_hint = false} : vector<512x128xf32>, vector<128x128xf32>, vector<512x128xf32> -> vector<512x128xf32>
    %add3A_132 = arith.addf %dot_general3A_131, %dot_general3A_126 : vector<512x128xf32>
    %get3A_133 = arith.constant 0 : index
    %get3A_134 = arith.constant 0 : index
    %get3A_135 = vector.load %arg26[%get3A_133, %get3A_134] : memref<1x128xf32, #tpu.memory_space<vmem>>, vector<1x128xf32>
    %add3A_136 = vector.broadcast %get3A_135 : vector<1x128xf32> to vector<512x128xf32>
    %add3A_137 = arith.addf %add3A_132, %add3A_136 : vector<512x128xf32>
    %get3A_138 = arith.constant 0 : index
    %get3A_139 = arith.constant 0 : index
    %get3A_140 = vector.load %arg27[%get3A_138, %get3A_139] : memref<1x128xf32, #tpu.memory_space<vmem>>, vector<1x128xf32>
    %get3A_141 = arith.constant 0 : index
    %get3A_142 = arith.constant 0 : index
    %get3A_143 = vector.load %arg28[%get3A_141, %get3A_142] : memref<1x128xf32, #tpu.memory_space<vmem>>, vector<1x128xf32>
    %reduce_sum3A_144 = arith.constant dense<0.000000e+00> : vector<512xf32>
    %reduce_sum3A_145 = vector.multi_reduction <add>, %add3A_137, %reduce_sum3A_144 [1] : vector<512x128xf32> to vector<512xf32>
    %broadcast_in_dim3A_146 = vector.shape_cast %reduce_sum3A_145 : vector<512xf32> to vector<512x1xf32>
    %div3A_147 = arith.constant 1.280000e+02 : f32
    %div3A_148 = vector.broadcast %div3A_147 : f32 to vector<512x1xf32>
    %div3A_149 = arith.divf %broadcast_in_dim3A_146, %div3A_148 : vector<512x1xf32>
    %sub3A_150 = vector.broadcast %div3A_149 : vector<512x1xf32> to vector<512x128xf32>
    %sub3A_151 = arith.subf %add3A_137, %sub3A_150 : vector<512x128xf32>
    %integer_pow3A_152 = arith.mulf %sub3A_151, %sub3A_151 : vector<512x128xf32>
    %reduce_sum3A_153 = arith.constant dense<0.000000e+00> : vector<512xf32>
    %reduce_sum3A_154 = vector.multi_reduction <add>, %integer_pow3A_152, %reduce_sum3A_153 [1] : vector<512x128xf32> to vector<512xf32>
    %broadcast_in_dim3A_155 = vector.shape_cast %reduce_sum3A_154 : vector<512xf32> to vector<512x1xf32>
    %div3A_156 = arith.constant 1.280000e+02 : f32
    %div3A_157 = vector.broadcast %div3A_156 : f32 to vector<512x1xf32>
    %div3A_158 = arith.divf %broadcast_in_dim3A_155, %div3A_157 : vector<512x1xf32>
    %sub3A_159 = vector.broadcast %div3A_149 : vector<512x1xf32> to vector<512x128xf32>
    %sub3A_160 = arith.subf %add3A_137, %sub3A_159 : vector<512x128xf32>
    %add3A_161 = arith.constant 9.99999974E-6 : f32
    %add3A_162 = vector.broadcast %add3A_161 : f32 to vector<512x1xf32>
    %add3A_163 = arith.addf %div3A_158, %add3A_162 : vector<512x1xf32>
    %rsqrt3A_164 = math.rsqrt %add3A_163 : vector<512x1xf32>
    %mul3A_165 = vector.broadcast %rsqrt3A_164 : vector<512x1xf32> to vector<512x128xf32>
    %mul3A_166 = arith.mulf %sub3A_160, %mul3A_165 : vector<512x128xf32>
    %mul3A_167 = vector.broadcast %get3A_140 : vector<1x128xf32> to vector<512x128xf32>
    %mul3A_168 = arith.mulf %mul3A_166, %mul3A_167 : vector<512x128xf32>
    %add3A_169 = vector.broadcast %get3A_143 : vector<1x128xf32> to vector<512x128xf32>
    %add3A_170 = arith.addf %mul3A_168, %add3A_169 : vector<512x128xf32>
    %max3A_171 = arith.constant 0.000000e+00 : f32
    %max3A_172 = vector.broadcast %max3A_171 : f32 to vector<512x128xf32>
    %max3A_173 = arith.maximumf %add3A_170, %max3A_172 : vector<512x128xf32>
    %reshape3A = vector.shape_cast %max3A_173 : vector<512x128xf32> to vector<8x64x128xf32>
    %reduce_sum3A_174 = arith.constant dense<0.000000e+00> : vector<8x128xf32>
    %reduce_sum3A_175 = vector.multi_reduction <add>, %reshape3A, %reduce_sum3A_174 [1] : vector<8x64x128xf32> to vector<8x128xf32>
    %div3A_176 = arith.constant 6.400000e+01 : f32
    %div3A_177 = vector.broadcast %div3A_176 : f32 to vector<8x128xf32>
    %div3A_178 = arith.divf %reduce_sum3A_175, %div3A_177 : vector<8x128xf32>
    %get3A_179 = arith.constant 0 : index
    %get3A_180 = arith.constant 0 : index
    %get3A_181 = vector.load %arg29[%get3A_179, %get3A_180] : memref<128x128xf32, #tpu.memory_space<vmem>>, vector<128x128xf32>
    %dot_general3A_182 = arith.constant dense<0.000000e+00> : vector<8x128xf32>
    %dot_general3A_183 = tpu.matmul %div3A_178, %get3A_181, %dot_general3A_182 {dimension_numbers = #tpu.dot_dimension_numbers<[1], [0], [0], [1], [0, 0, 1, 1], [], []>, transpose_lhs_hint = false} : vector<8x128xf32>, vector<128x128xf32>, vector<8x128xf32> -> vector<8x128xf32>
    %get3A_184 = arith.constant 0 : index
    %get3A_185 = arith.constant 0 : index
    %get3A_186 = vector.load %arg30[%get3A_184, %get3A_185] : memref<1x128xf32, #tpu.memory_space<vmem>>, vector<1x128xf32>
    %add3A_187 = vector.broadcast %get3A_186 : vector<1x128xf32> to vector<8x128xf32>
    %add3A_188 = arith.addf %dot_general3A_183, %add3A_187 : vector<8x128xf32>
    %get3A_189 = arith.constant 0 : index
    %get3A_190 = arith.constant 0 : index
    %get3A_191 = vector.load %arg6[%get3A_189, %get3A_190] : memref<512x512xf32, #tpu.memory_space<vmem>>, vector<512x512xf32>
    %reduce_sum3A_192 = arith.constant dense<0.000000e+00> : vector<512xf32>
    %reduce_sum3A_193 = vector.multi_reduction <add>, %get3A_191, %reduce_sum3A_192 [1] : vector<512x512xf32> to vector<512xf32>
    %broadcast_in_dim3A_194 = vector.shape_cast %reduce_sum3A_193 : vector<512xf32> to vector<512x1xf32>
    %jit3A_195 = arith.constant 1.000000e+00 : f32
    %max3A_196 = vector.broadcast %jit3A_195 : f32 to vector<512x1xf32>
    %max3A_197 = arith.maximumf %max3A_196, %broadcast_in_dim3A_194 : vector<512x1xf32>
    %div3A_198 = vector.broadcast %max3A_197 : vector<512x1xf32> to vector<512x512xf32>
    %div3A_199 = arith.divf %get3A_191, %div3A_198 : vector<512x512xf32>
    %get3A_200 = arith.constant 0 : index
    %get3A_201 = arith.constant 0 : index
    %get3A_202 = vector.load %arg4[%get3A_200, %get3A_201] : memref<512x4xf32, #tpu.memory_space<vmem>>, vector<512x4xf32>
    %get3A_203 = arith.constant 0 : index
    %get3A_204 = arith.constant 0 : index
    %get3A_205 = vector.load %arg12[%get3A_203, %get3A_204] : memref<4x128xf32, #tpu.memory_space<vmem>>, vector<4x128xf32>
    %dot_general3A_206 = arith.constant dense<0.000000e+00> : vector<512x128xf32>
    %dot_general3A_207 = tpu.matmul %get3A_202, %get3A_205, %dot_general3A_206 {dimension_numbers = #tpu.dot_dimension_numbers<[1], [0], [0], [1], [0, 0, 1, 1], [], []>, transpose_lhs_hint = false} : vector<512x4xf32>, vector<4x128xf32>, vector<512x128xf32> -> vector<512x128xf32>
    %get3A_208 = arith.constant 0 : index
    %get3A_209 = arith.constant 0 : index
    %get3A_210 = vector.load %arg13[%get3A_208, %get3A_209] : memref<1x128xf32, #tpu.memory_space<vmem>>, vector<1x128xf32>
    %add3A_211 = vector.broadcast %get3A_210 : vector<1x128xf32> to vector<512x128xf32>
    %add3A_212 = arith.addf %dot_general3A_207, %add3A_211 : vector<512x128xf32>
    %dot_general3A_213 = arith.constant dense<0.000000e+00> : vector<512x128xf32>
    %dot_general3A_214 = tpu.matmul %div3A_199, %add3A_212, %dot_general3A_213 {dimension_numbers = #tpu.dot_dimension_numbers<[1], [0], [0], [1], [0, 0, 1, 1], [], []>, precision = #tpu.contract_precision<fp32>, transpose_lhs_hint = false} : vector<512x512xf32>, vector<512x128xf32>, vector<512x128xf32> -> vector<512x128xf32>
    %get3A_215 = arith.constant 0 : index
    %get3A_216 = arith.constant 0 : index
    %get3A_217 = vector.load %arg15[%get3A_215, %get3A_216] : memref<128x128xf32, #tpu.memory_space<vmem>>, vector<128x128xf32>
    %dot_general3A_218 = arith.constant dense<0.000000e+00> : vector<512x128xf32>
    %dot_general3A_219 = tpu.matmul %dot_general3A_214, %get3A_217, %dot_general3A_218 {dimension_numbers = #tpu.dot_dimension_numbers<[1], [0], [0], [1], [0, 0, 1, 1], [], []>, transpose_lhs_hint = false} : vector<512x128xf32>, vector<128x128xf32>, vector<512x128xf32> -> vector<512x128xf32>
    %get3A_220 = arith.constant 0 : index
    %get3A_221 = arith.constant 0 : index
    %get3A_222 = vector.load %arg14[%get3A_220, %get3A_221] : memref<128x128xf32, #tpu.memory_space<vmem>>, vector<128x128xf32>
    %dot_general3A_223 = arith.constant dense<0.000000e+00> : vector<512x128xf32>
    %dot_general3A_224 = tpu.matmul %add3A_212, %get3A_222, %dot_general3A_223 {dimension_numbers = #tpu.dot_dimension_numbers<[1], [0], [0], [1], [0, 0, 1, 1], [], []>, transpose_lhs_hint = false} : vector<512x128xf32>, vector<128x128xf32>, vector<512x128xf32> -> vector<512x128xf32>
    %add3A_225 = arith.addf %dot_general3A_224, %dot_general3A_219 : vector<512x128xf32>
    %get3A_226 = arith.constant 0 : index
    %get3A_227 = arith.constant 0 : index
    %get3A_228 = vector.load %arg16[%get3A_226, %get3A_227] : memref<1x128xf32, #tpu.memory_space<vmem>>, vector<1x128xf32>
    %add3A_229 = vector.broadcast %get3A_228 : vector<1x128xf32> to vector<512x128xf32>
    %add3A_230 = arith.addf %add3A_225, %add3A_229 : vector<512x128xf32>
    %get3A_231 = arith.constant 0 : index
    %get3A_232 = arith.constant 0 : index
    %get3A_233 = vector.load %arg17[%get3A_231, %get3A_232] : memref<1x128xf32, #tpu.memory_space<vmem>>, vector<1x128xf32>
    %get3A_234 = arith.constant 0 : index
    %get3A_235 = arith.constant 0 : index
    %get3A_236 = vector.load %arg18[%get3A_234, %get3A_235] : memref<1x128xf32, #tpu.memory_space<vmem>>, vector<1x128xf32>
    %reduce_sum3A_237 = arith.constant dense<0.000000e+00> : vector<512xf32>
    %reduce_sum3A_238 = vector.multi_reduction <add>, %add3A_230, %reduce_sum3A_237 [1] : vector<512x128xf32> to vector<512xf32>
    %broadcast_in_dim3A_239 = vector.shape_cast %reduce_sum3A_238 : vector<512xf32> to vector<512x1xf32>
    %div3A_240 = arith.constant 1.280000e+02 : f32
    %div3A_241 = vector.broadcast %div3A_240 : f32 to vector<512x1xf32>
    %div3A_242 = arith.divf %broadcast_in_dim3A_239, %div3A_241 : vector<512x1xf32>
    %sub3A_243 = vector.broadcast %div3A_242 : vector<512x1xf32> to vector<512x128xf32>
    %sub3A_244 = arith.subf %add3A_230, %sub3A_243 : vector<512x128xf32>
    %integer_pow3A_245 = arith.mulf %sub3A_244, %sub3A_244 : vector<512x128xf32>
    %reduce_sum3A_246 = arith.constant dense<0.000000e+00> : vector<512xf32>
    %reduce_sum3A_247 = vector.multi_reduction <add>, %integer_pow3A_245, %reduce_sum3A_246 [1] : vector<512x128xf32> to vector<512xf32>
    %broadcast_in_dim3A_248 = vector.shape_cast %reduce_sum3A_247 : vector<512xf32> to vector<512x1xf32>
    %div3A_249 = arith.constant 1.280000e+02 : f32
    %div3A_250 = vector.broadcast %div3A_249 : f32 to vector<512x1xf32>
    %div3A_251 = arith.divf %broadcast_in_dim3A_248, %div3A_250 : vector<512x1xf32>
    %sub3A_252 = vector.broadcast %div3A_242 : vector<512x1xf32> to vector<512x128xf32>
    %sub3A_253 = arith.subf %add3A_230, %sub3A_252 : vector<512x128xf32>
    %add3A_254 = arith.constant 9.99999974E-6 : f32
    %add3A_255 = vector.broadcast %add3A_254 : f32 to vector<512x1xf32>
    %add3A_256 = arith.addf %div3A_251, %add3A_255 : vector<512x1xf32>
    %rsqrt3A_257 = math.rsqrt %add3A_256 : vector<512x1xf32>
    %mul3A_258 = vector.broadcast %rsqrt3A_257 : vector<512x1xf32> to vector<512x128xf32>
    %mul3A_259 = arith.mulf %sub3A_253, %mul3A_258 : vector<512x128xf32>
    %mul3A_260 = vector.broadcast %get3A_233 : vector<1x128xf32> to vector<512x128xf32>
    %mul3A_261 = arith.mulf %mul3A_259, %mul3A_260 : vector<512x128xf32>
    %add3A_262 = vector.broadcast %get3A_236 : vector<1x128xf32> to vector<512x128xf32>
    %add3A_263 = arith.addf %mul3A_261, %add3A_262 : vector<512x128xf32>
    %max3A_264 = arith.constant 0.000000e+00 : f32
    %max3A_265 = vector.broadcast %max3A_264 : f32 to vector<512x128xf32>
    %max3A_266 = arith.maximumf %add3A_263, %max3A_265 : vector<512x128xf32>
    %dot_general3A_267 = arith.constant dense<0.000000e+00> : vector<512x128xf32>
    %dot_general3A_268 = tpu.matmul %div3A_199, %max3A_266, %dot_general3A_267 {dimension_numbers = #tpu.dot_dimension_numbers<[1], [0], [0], [1], [0, 0, 1, 1], [], []>, precision = #tpu.contract_precision<fp32>, transpose_lhs_hint = false} : vector<512x512xf32>, vector<512x128xf32>, vector<512x128xf32> -> vector<512x128xf32>
    %get3A_269 = arith.constant 0 : index
    %get3A_270 = arith.constant 0 : index
    %get3A_271 = vector.load %arg20[%get3A_269, %get3A_270] : memref<128x128xf32, #tpu.memory_space<vmem>>, vector<128x128xf32>
    %dot_general3A_272 = arith.constant dense<0.000000e+00> : vector<512x128xf32>
    %dot_general3A_273 = tpu.matmul %dot_general3A_268, %get3A_271, %dot_general3A_272 {dimension_numbers = #tpu.dot_dimension_numbers<[1], [0], [0], [1], [0, 0, 1, 1], [], []>, transpose_lhs_hint = false} : vector<512x128xf32>, vector<128x128xf32>, vector<512x128xf32> -> vector<512x128xf32>
    %get3A_274 = arith.constant 0 : index
    %get3A_275 = arith.constant 0 : index
    %get3A_276 = vector.load %arg19[%get3A_274, %get3A_275] : memref<128x128xf32, #tpu.memory_space<vmem>>, vector<128x128xf32>
    %dot_general3A_277 = arith.constant dense<0.000000e+00> : vector<512x128xf32>
    %dot_general3A_278 = tpu.matmul %max3A_266, %get3A_276, %dot_general3A_277 {dimension_numbers = #tpu.dot_dimension_numbers<[1], [0], [0], [1], [0, 0, 1, 1], [], []>, transpose_lhs_hint = false} : vector<512x128xf32>, vector<128x128xf32>, vector<512x128xf32> -> vector<512x128xf32>
    %add3A_279 = arith.addf %dot_general3A_278, %dot_general3A_273 : vector<512x128xf32>
    %get3A_280 = arith.constant 0 : index
    %get3A_281 = arith.constant 0 : index
    %get3A_282 = vector.load %arg21[%get3A_280, %get3A_281] : memref<1x128xf32, #tpu.memory_space<vmem>>, vector<1x128xf32>
    %add3A_283 = vector.broadcast %get3A_282 : vector<1x128xf32> to vector<512x128xf32>
    %add3A_284 = arith.addf %add3A_279, %add3A_283 : vector<512x128xf32>
    %get3A_285 = arith.constant 0 : index
    %get3A_286 = arith.constant 0 : index
    %get3A_287 = vector.load %arg22[%get3A_285, %get3A_286] : memref<1x128xf32, #tpu.memory_space<vmem>>, vector<1x128xf32>
    %get3A_288 = arith.constant 0 : index
    %get3A_289 = arith.constant 0 : index
    %get3A_290 = vector.load %arg23[%get3A_288, %get3A_289] : memref<1x128xf32, #tpu.memory_space<vmem>>, vector<1x128xf32>
    %reduce_sum3A_291 = arith.constant dense<0.000000e+00> : vector<512xf32>
    %reduce_sum3A_292 = vector.multi_reduction <add>, %add3A_284, %reduce_sum3A_291 [1] : vector<512x128xf32> to vector<512xf32>
    %broadcast_in_dim3A_293 = vector.shape_cast %reduce_sum3A_292 : vector<512xf32> to vector<512x1xf32>
    %div3A_294 = arith.constant 1.280000e+02 : f32
    %div3A_295 = vector.broadcast %div3A_294 : f32 to vector<512x1xf32>
    %div3A_296 = arith.divf %broadcast_in_dim3A_293, %div3A_295 : vector<512x1xf32>
    %sub3A_297 = vector.broadcast %div3A_296 : vector<512x1xf32> to vector<512x128xf32>
    %sub3A_298 = arith.subf %add3A_284, %sub3A_297 : vector<512x128xf32>
    %integer_pow3A_299 = arith.mulf %sub3A_298, %sub3A_298 : vector<512x128xf32>
    %reduce_sum3A_300 = arith.constant dense<0.000000e+00> : vector<512xf32>
    %reduce_sum3A_301 = vector.multi_reduction <add>, %integer_pow3A_299, %reduce_sum3A_300 [1] : vector<512x128xf32> to vector<512xf32>
    %broadcast_in_dim3A_302 = vector.shape_cast %reduce_sum3A_301 : vector<512xf32> to vector<512x1xf32>
    %div3A_303 = arith.constant 1.280000e+02 : f32
    %div3A_304 = vector.broadcast %div3A_303 : f32 to vector<512x1xf32>
    %div3A_305 = arith.divf %broadcast_in_dim3A_302, %div3A_304 : vector<512x1xf32>
    %sub3A_306 = vector.broadcast %div3A_296 : vector<512x1xf32> to vector<512x128xf32>
    %sub3A_307 = arith.subf %add3A_284, %sub3A_306 : vector<512x128xf32>
    %add3A_308 = arith.constant 9.99999974E-6 : f32
    %add3A_309 = vector.broadcast %add3A_308 : f32 to vector<512x1xf32>
    %add3A_310 = arith.addf %div3A_305, %add3A_309 : vector<512x1xf32>
    %rsqrt3A_311 = math.rsqrt %add3A_310 : vector<512x1xf32>
    %mul3A_312 = vector.broadcast %rsqrt3A_311 : vector<512x1xf32> to vector<512x128xf32>
    %mul3A_313 = arith.mulf %sub3A_307, %mul3A_312 : vector<512x128xf32>
    %mul3A_314 = vector.broadcast %get3A_287 : vector<1x128xf32> to vector<512x128xf32>
    %mul3A_315 = arith.mulf %mul3A_313, %mul3A_314 : vector<512x128xf32>
    %add3A_316 = vector.broadcast %get3A_290 : vector<1x128xf32> to vector<512x128xf32>
    %add3A_317 = arith.addf %mul3A_315, %add3A_316 : vector<512x128xf32>
    %max3A_318 = arith.constant 0.000000e+00 : f32
    %max3A_319 = vector.broadcast %max3A_318 : f32 to vector<512x128xf32>
    %max3A_320 = arith.maximumf %add3A_317, %max3A_319 : vector<512x128xf32>
    %dot_general3A_321 = arith.constant dense<0.000000e+00> : vector<512x128xf32>
    %dot_general3A_322 = tpu.matmul %div3A_199, %max3A_320, %dot_general3A_321 {dimension_numbers = #tpu.dot_dimension_numbers<[1], [0], [0], [1], [0, 0, 1, 1], [], []>, precision = #tpu.contract_precision<fp32>, transpose_lhs_hint = false} : vector<512x512xf32>, vector<512x128xf32>, vector<512x128xf32> -> vector<512x128xf32>
    %get3A_323 = arith.constant 0 : index
    %get3A_324 = arith.constant 0 : index
    %get3A_325 = vector.load %arg25[%get3A_323, %get3A_324] : memref<128x128xf32, #tpu.memory_space<vmem>>, vector<128x128xf32>
    %dot_general3A_326 = arith.constant dense<0.000000e+00> : vector<512x128xf32>
    %dot_general3A_327 = tpu.matmul %dot_general3A_322, %get3A_325, %dot_general3A_326 {dimension_numbers = #tpu.dot_dimension_numbers<[1], [0], [0], [1], [0, 0, 1, 1], [], []>, transpose_lhs_hint = false} : vector<512x128xf32>, vector<128x128xf32>, vector<512x128xf32> -> vector<512x128xf32>
    %get3A_328 = arith.constant 0 : index
    %get3A_329 = arith.constant 0 : index
    %get3A_330 = vector.load %arg24[%get3A_328, %get3A_329] : memref<128x128xf32, #tpu.memory_space<vmem>>, vector<128x128xf32>
    %dot_general3A_331 = arith.constant dense<0.000000e+00> : vector<512x128xf32>
    %dot_general3A_332 = tpu.matmul %max3A_320, %get3A_330, %dot_general3A_331 {dimension_numbers = #tpu.dot_dimension_numbers<[1], [0], [0], [1], [0, 0, 1, 1], [], []>, transpose_lhs_hint = false} : vector<512x128xf32>, vector<128x128xf32>, vector<512x128xf32> -> vector<512x128xf32>
    %add3A_333 = arith.addf %dot_general3A_332, %dot_general3A_327 : vector<512x128xf32>
    %get3A_334 = arith.constant 0 : index
    %get3A_335 = arith.constant 0 : index
    %get3A_336 = vector.load %arg26[%get3A_334, %get3A_335] : memref<1x128xf32, #tpu.memory_space<vmem>>, vector<1x128xf32>
    %add3A_337 = vector.broadcast %get3A_336 : vector<1x128xf32> to vector<512x128xf32>
    %add3A_338 = arith.addf %add3A_333, %add3A_337 : vector<512x128xf32>
    %get3A_339 = arith.constant 0 : index
    %get3A_340 = arith.constant 0 : index
    %get3A_341 = vector.load %arg27[%get3A_339, %get3A_340] : memref<1x128xf32, #tpu.memory_space<vmem>>, vector<1x128xf32>
    %get3A_342 = arith.constant 0 : index
    %get3A_343 = arith.constant 0 : index
    %get3A_344 = vector.load %arg28[%get3A_342, %get3A_343] : memref<1x128xf32, #tpu.memory_space<vmem>>, vector<1x128xf32>
    %reduce_sum3A_345 = arith.constant dense<0.000000e+00> : vector<512xf32>
    %reduce_sum3A_346 = vector.multi_reduction <add>, %add3A_338, %reduce_sum3A_345 [1] : vector<512x128xf32> to vector<512xf32>
    %broadcast_in_dim3A_347 = vector.shape_cast %reduce_sum3A_346 : vector<512xf32> to vector<512x1xf32>
    %div3A_348 = arith.constant 1.280000e+02 : f32
    %div3A_349 = vector.broadcast %div3A_348 : f32 to vector<512x1xf32>
    %div3A_350 = arith.divf %broadcast_in_dim3A_347, %div3A_349 : vector<512x1xf32>
    %sub3A_351 = vector.broadcast %div3A_350 : vector<512x1xf32> to vector<512x128xf32>
    %sub3A_352 = arith.subf %add3A_338, %sub3A_351 : vector<512x128xf32>
    %integer_pow3A_353 = arith.mulf %sub3A_352, %sub3A_352 : vector<512x128xf32>
    %reduce_sum3A_354 = arith.constant dense<0.000000e+00> : vector<512xf32>
    %reduce_sum3A_355 = vector.multi_reduction <add>, %integer_pow3A_353, %reduce_sum3A_354 [1] : vector<512x128xf32> to vector<512xf32>
    %broadcast_in_dim3A_356 = vector.shape_cast %reduce_sum3A_355 : vector<512xf32> to vector<512x1xf32>
    %div3A_357 = arith.constant 1.280000e+02 : f32
    %div3A_358 = vector.broadcast %div3A_357 : f32 to vector<512x1xf32>
    %div3A_359 = arith.divf %broadcast_in_dim3A_356, %div3A_358 : vector<512x1xf32>
    %sub3A_360 = vector.broadcast %div3A_350 : vector<512x1xf32> to vector<512x128xf32>
    %sub3A_361 = arith.subf %add3A_338, %sub3A_360 : vector<512x128xf32>
    %add3A_362 = arith.constant 9.99999974E-6 : f32
    %add3A_363 = vector.broadcast %add3A_362 : f32 to vector<512x1xf32>
    %add3A_364 = arith.addf %div3A_359, %add3A_363 : vector<512x1xf32>
    %rsqrt3A_365 = math.rsqrt %add3A_364 : vector<512x1xf32>
    %mul3A_366 = vector.broadcast %rsqrt3A_365 : vector<512x1xf32> to vector<512x128xf32>
    %mul3A_367 = arith.mulf %sub3A_361, %mul3A_366 : vector<512x128xf32>
    %mul3A_368 = vector.broadcast %get3A_341 : vector<1x128xf32> to vector<512x128xf32>
    %mul3A_369 = arith.mulf %mul3A_367, %mul3A_368 : vector<512x128xf32>
    %add3A_370 = vector.broadcast %get3A_344 : vector<1x128xf32> to vector<512x128xf32>
    %add3A_371 = arith.addf %mul3A_369, %add3A_370 : vector<512x128xf32>
    %max3A_372 = arith.constant 0.000000e+00 : f32
    %max3A_373 = vector.broadcast %max3A_372 : f32 to vector<512x128xf32>
    %max3A_374 = arith.maximumf %add3A_371, %max3A_373 : vector<512x128xf32>
    %reshape3A_375 = vector.shape_cast %max3A_374 : vector<512x128xf32> to vector<8x64x128xf32>
    %reduce_sum3A_376 = arith.constant dense<0.000000e+00> : vector<8x128xf32>
    %reduce_sum3A_377 = vector.multi_reduction <add>, %reshape3A_375, %reduce_sum3A_376 [1] : vector<8x64x128xf32> to vector<8x128xf32>
    %div3A_378 = arith.constant 6.400000e+01 : f32
    %div3A_379 = vector.broadcast %div3A_378 : f32 to vector<8x128xf32>
    %div3A_380 = arith.divf %reduce_sum3A_377, %div3A_379 : vector<8x128xf32>
    %get3A_381 = arith.constant 0 : index
    %get3A_382 = arith.constant 0 : index
    %get3A_383 = vector.load %arg29[%get3A_381, %get3A_382] : memref<128x128xf32, #tpu.memory_space<vmem>>, vector<128x128xf32>
    %dot_general3A_384 = arith.constant dense<0.000000e+00> : vector<8x128xf32>
    %dot_general3A_385 = tpu.matmul %div3A_380, %get3A_383, %dot_general3A_384 {dimension_numbers = #tpu.dot_dimension_numbers<[1], [0], [0], [1], [0, 0, 1, 1], [], []>, transpose_lhs_hint = false} : vector<8x128xf32>, vector<128x128xf32>, vector<8x128xf32> -> vector<8x128xf32>
    %get3A_386 = arith.constant 0 : index
    %get3A_387 = arith.constant 0 : index
    %get3A_388 = vector.load %arg30[%get3A_386, %get3A_387] : memref<1x128xf32, #tpu.memory_space<vmem>>, vector<1x128xf32>
    %add3A_389 = vector.broadcast %get3A_388 : vector<1x128xf32> to vector<8x128xf32>
    %add3A_390 = arith.addf %dot_general3A_385, %add3A_389 : vector<8x128xf32>
    %iota3A = tpu.iota {dimensions = array<i32: 1>} : vector<8x128xi32>
    %jit3A_391 = arith.constant 64 : i32
    %eq3A = arith.constant 0 : i32
    %eq3A_392 = arith.cmpi eq, %jit3A_391, %eq3A : i32
    %jit3A_393 = arith.constant 1 : i32
    %select_n3A = arith.select %eq3A_392, %jit3A_393, %jit3A_391 : i32
    %rem3A = vector.broadcast %select_n3A : i32 to vector<8x128xi32>
    %rem3A_394 = arith.remsi %iota3A, %rem3A : vector<8x128xi32>
    %ne3A = arith.constant 0 : i32
    %ne3A_395 = vector.broadcast %ne3A : i32 to vector<8x128xi32>
    %ne3A_396 = arith.cmpi ne, %rem3A_394, %ne3A_395 : vector<8x128xi32>
    %lt3A = arith.constant 0 : i32
    %lt3A_397 = vector.broadcast %lt3A : i32 to vector<8x128xi32>
    %lt3A_398 = arith.cmpi slt, %rem3A_394, %lt3A_397 : vector<8x128xi32>
    %lt3A_399 = arith.constant 0 : i32
    %lt3A_400 = arith.cmpi slt, %select_n3A, %lt3A_399 : i32
    %ne3A_401 = vector.broadcast %lt3A_400 : i1 to vector<8x128xi1>
    %ne3A_402 = vector.broadcast %ne3A_401 : vector<8x128xi1> to vector<8x128xi1>
    %ne3A_403 = arith.xori %lt3A_398, %ne3A_402 : vector<8x128xi1>
    %and3A = arith.andi %ne3A_403, %ne3A_396 : vector<8x128xi1>
    %add3A_404 = vector.broadcast %select_n3A : i32 to vector<8x128xi32>
    %add3A_405 = arith.addi %rem3A_394, %add3A_404 : vector<8x128xi32>
    %select_n3A_406 = arith.select %and3A, %add3A_405, %rem3A_394 : vector<8x128xi1>, vector<8x128xi32>
    %convert_element_type3A = arith.sitofp %select_n3A_406 : vector<8x128xi32> to vector<8x128xf32>
    %mul3A_407 = arith.constant -0.14391157 : f32
    %mul3A_408 = vector.broadcast %mul3A_407 : f32 to vector<8x128xf32>
    %mul3A_409 = arith.mulf %convert_element_type3A, %mul3A_408 : vector<8x128xf32>
    %exp3A = math.exp %mul3A_409 : vector<8x128xf32>
    %get3A_410 = arith.constant 0 : index
    %get3A_411 = arith.constant 0 : index
    %get3A_412 = vector.load %arg0[%get3A_410, %get3A_411] : memref<8x1xf32, #tpu.memory_space<vmem>>, vector<8x1xf32>
    %mul3A_413 = vector.broadcast %get3A_412 : vector<8x1xf32> to vector<8x128xf32>
    %mul3A_414 = arith.mulf %mul3A_413, %exp3A : vector<8x128xf32>
    %lt3A_415 = arith.constant 64 : i32
    %lt3A_416 = vector.broadcast %lt3A_415 : i32 to vector<8x128xi32>
    %lt3A_417 = arith.cmpi slt, %iota3A, %lt3A_416 : vector<8x128xi32>
    %sin3A = math.sin %mul3A_414 : vector<8x128xf32>
    %cos3A = math.cos %mul3A_414 : vector<8x128xf32>
    %select_n3A_418 = arith.select %lt3A_417, %sin3A, %cos3A : vector<8x128xi1>, vector<8x128xf32>
    %get3A_419 = arith.constant 0 : index
    %get3A_420 = arith.constant 0 : index
    %get3A_421 = vector.load %arg8[%get3A_419, %get3A_420] : memref<128x128xf32, #tpu.memory_space<vmem>>, vector<128x128xf32>
    %dot_general3A_422 = arith.constant dense<0.000000e+00> : vector<8x128xf32>
    %dot_general3A_423 = tpu.matmul %select_n3A_418, %get3A_421, %dot_general3A_422 {dimension_numbers = #tpu.dot_dimension_numbers<[1], [0], [0], [1], [0, 0, 1, 1], [], []>, transpose_lhs_hint = false} : vector<8x128xf32>, vector<128x128xf32>, vector<8x128xf32> -> vector<8x128xf32>
    %get3A_424 = arith.constant 0 : index
    %get3A_425 = arith.constant 0 : index
    %get3A_426 = vector.load %arg9[%get3A_424, %get3A_425] : memref<1x128xf32, #tpu.memory_space<vmem>>, vector<1x128xf32>
    %add3A_427 = vector.broadcast %get3A_426 : vector<1x128xf32> to vector<8x128xf32>
    %add3A_428 = arith.addf %dot_general3A_423, %add3A_427 : vector<8x128xf32>
    %logistic3A = arith.negf %add3A_428 : vector<8x128xf32>
    %logistic3A_429 = math.exp %logistic3A : vector<8x128xf32>
    %logistic3A_430 = arith.constant 1.000000e+00 : f32
    %logistic3A_431 = vector.broadcast %logistic3A_430 : f32 to vector<8x128xf32>
    %logistic3A_432 = arith.addf %logistic3A_431, %logistic3A_429 : vector<8x128xf32>
    %logistic3A_433 = arith.divf %logistic3A_431, %logistic3A_432 : vector<8x128xf32>
    %mul3A_434 = arith.mulf %add3A_428, %logistic3A_433 : vector<8x128xf32>
    %get3A_435 = arith.constant 0 : index
    %get3A_436 = arith.constant 0 : index
    %get3A_437 = vector.load %arg10[%get3A_435, %get3A_436] : memref<128x128xf32, #tpu.memory_space<vmem>>, vector<128x128xf32>
    %dot_general3A_438 = arith.constant dense<0.000000e+00> : vector<8x128xf32>
    %dot_general3A_439 = tpu.matmul %mul3A_434, %get3A_437, %dot_general3A_438 {dimension_numbers = #tpu.dot_dimension_numbers<[1], [0], [0], [1], [0, 0, 1, 1], [], []>, transpose_lhs_hint = false} : vector<8x128xf32>, vector<128x128xf32>, vector<8x128xf32> -> vector<8x128xf32>
    %get3A_440 = arith.constant 0 : index
    %get3A_441 = arith.constant 0 : index
    %get3A_442 = vector.load %arg11[%get3A_440, %get3A_441] : memref<1x128xf32, #tpu.memory_space<vmem>>, vector<1x128xf32>
    %add3A_443 = vector.broadcast %get3A_442 : vector<1x128xf32> to vector<8x128xf32>
    %add3A_444 = arith.addf %dot_general3A_439, %add3A_443 : vector<8x128xf32>
    %get3A_445 = arith.constant 0 : index
    %get3A_446 = arith.constant 0 : index
    %get3A_447 = vector.load %arg31[%get3A_445, %get3A_446] : memref<384x128xf32, #tpu.memory_space<vmem>>, vector<384x128xf32>
    %slice3A = vector.extract_strided_slice %get3A_447 {offsets = [0, 0], sizes = [128, 128], strides = [1, 1]} : vector<384x128xf32> to vector<128x128xf32>
    %dot_general3A_448 = arith.constant dense<0.000000e+00> : vector<8x128xf32>
    %dot_general3A_449 = tpu.matmul %add3A_188, %slice3A, %dot_general3A_448 {dimension_numbers = #tpu.dot_dimension_numbers<[1], [0], [0], [1], [0, 0, 1, 1], [], []>, transpose_lhs_hint = false} : vector<8x128xf32>, vector<128x128xf32>, vector<8x128xf32> -> vector<8x128xf32>
    %slice3A_450 = vector.extract_strided_slice %get3A_447 {offsets = [128, 0], sizes = [128, 128], strides = [1, 1]} : vector<384x128xf32> to vector<128x128xf32>
    %dot_general3A_451 = arith.constant dense<0.000000e+00> : vector<8x128xf32>
    %dot_general3A_452 = tpu.matmul %add3A_390, %slice3A_450, %dot_general3A_451 {dimension_numbers = #tpu.dot_dimension_numbers<[1], [0], [0], [1], [0, 0, 1, 1], [], []>, transpose_lhs_hint = false} : vector<8x128xf32>, vector<128x128xf32>, vector<8x128xf32> -> vector<8x128xf32>
    %add3A_453 = arith.addf %dot_general3A_449, %dot_general3A_452 : vector<8x128xf32>
    %slice3A_454 = vector.extract_strided_slice %get3A_447 {offsets = [256, 0], sizes = [128, 128], strides = [1, 1]} : vector<384x128xf32> to vector<128x128xf32>
    %dot_general3A_455 = arith.constant dense<0.000000e+00> : vector<8x128xf32>
    %dot_general3A_456 = tpu.matmul %add3A_444, %slice3A_454, %dot_general3A_455 {dimension_numbers = #tpu.dot_dimension_numbers<[1], [0], [0], [1], [0, 0, 1, 1], [], []>, transpose_lhs_hint = false} : vector<8x128xf32>, vector<128x128xf32>, vector<8x128xf32> -> vector<8x128xf32>
    %add3A_457 = arith.addf %add3A_453, %dot_general3A_456 : vector<8x128xf32>
    %get3A_458 = arith.constant 0 : index
    %get3A_459 = arith.constant 0 : index
    %get3A_460 = vector.load %arg32[%get3A_458, %get3A_459] : memref<1x128xf32, #tpu.memory_space<vmem>>, vector<1x128xf32>
    %add3A_461 = vector.broadcast %get3A_460 : vector<1x128xf32> to vector<8x128xf32>
    %add3A_462 = arith.addf %add3A_457, %add3A_461 : vector<8x128xf32>
    %logistic3A_463 = arith.negf %add3A_462 : vector<8x128xf32>
    %logistic3A_464 = math.exp %logistic3A_463 : vector<8x128xf32>
    %logistic3A_465 = arith.constant 1.000000e+00 : f32
    %logistic3A_466 = vector.broadcast %logistic3A_465 : f32 to vector<8x128xf32>
    %logistic3A_467 = arith.addf %logistic3A_466, %logistic3A_464 : vector<8x128xf32>
    %logistic3A_468 = arith.divf %logistic3A_466, %logistic3A_467 : vector<8x128xf32>
    %mul3A_469 = arith.mulf %add3A_462, %logistic3A_468 : vector<8x128xf32>
    %get3A_470 = arith.constant 0 : index
    %get3A_471 = arith.constant 0 : index
    %get3A_472 = vector.load %arg33[%get3A_470, %get3A_471] : memref<128x128xf32, #tpu.memory_space<vmem>>, vector<128x128xf32>
    %dot_general3A_473 = arith.constant dense<0.000000e+00> : vector<8x128xf32>
    %dot_general3A_474 = tpu.matmul %mul3A_469, %get3A_472, %dot_general3A_473 {dimension_numbers = #tpu.dot_dimension_numbers<[1], [0], [0], [1], [0, 0, 1, 1], [], []>, transpose_lhs_hint = false} : vector<8x128xf32>, vector<128x128xf32>, vector<8x128xf32> -> vector<8x128xf32>
    %get3A_475 = arith.constant 0 : index
    %get3A_476 = arith.constant 0 : index
    %get3A_477 = vector.load %arg34[%get3A_475, %get3A_476] : memref<1x128xf32, #tpu.memory_space<vmem>>, vector<1x128xf32>
    %add3A_478 = vector.broadcast %get3A_477 : vector<1x128xf32> to vector<8x128xf32>
    %add3A_479 = arith.addf %dot_general3A_474, %add3A_478 : vector<8x128xf32>
    %broadcast_in_dim3A_480 = vector.shape_cast %add3A_479 : vector<8x128xf32> to vector<8x1x128xf32>
    %broadcast_in_dim3A_481 = vector.shape_cast %broadcast_in_dim3A_480 : vector<8x1x128xf32> to vector<8x1x128xf32>
    %broadcast_in_dim3A_482 = vector.broadcast %broadcast_in_dim3A_481 : vector<8x1x128xf32> to vector<8x32x128xf32>
    %reshape3A_483 = vector.shape_cast %broadcast_in_dim3A_482 : vector<8x32x128xf32> to vector<256x128xf32>
    %get3A_484 = arith.constant 0 : index
    %get3A_485 = arith.constant 0 : index
    %get3A_486 = vector.load %arg2[%get3A_484, %get3A_485] : memref<256x1xi32, #tpu.memory_space<vmem>>, vector<256x1xi32>
    %jit3A_487 = arith.constant 0 : i32
    %jit3A_488 = arith.constant 2 : i32
    %max3A_489 = vector.broadcast %jit3A_487 : i32 to vector<256x1xi32>
    %max3A_490 = arith.maxsi %max3A_489, %get3A_486 : vector<256x1xi32>
    %min3A = vector.broadcast %jit3A_488 : i32 to vector<256x1xi32>
    %min3A_491 = arith.minsi %min3A, %max3A_490 : vector<256x1xi32>
    %iota3A_492 = tpu.iota {dimensions = array<i32: 1>} : vector<256x3xi32>
    %eq3A_493 = vector.broadcast %min3A_491 : vector<256x1xi32> to vector<256x3xi32>
    %eq3A_494 = arith.cmpi eq, %eq3A_493, %iota3A_492 : vector<256x3xi32>
    %convert_element_type3A_495 = arith.extui %eq3A_494 : vector<256x3xi1> to vector<256x3xi32>
    %convert_element_type3A_496 = arith.sitofp %convert_element_type3A_495 : vector<256x3xi32> to vector<256x3xf32>
    %gt3A = arith.constant 0 : i32
    %gt3A_497 = vector.broadcast %gt3A : i32 to vector<256x1xi32>
    %gt3A_498 = arith.cmpi sgt, %get3A_486, %gt3A_497 : vector<256x1xi32>
    %convert_element_type3A_499 = arith.extui %gt3A_498 : vector<256x1xi1> to vector<256x1xi32>
    %convert_element_type3A_500 = arith.sitofp %convert_element_type3A_499 : vector<256x1xi32> to vector<256x1xf32>
    %get3A_501 = arith.constant 0 : index
    %get3A_502 = arith.constant 0 : index
    %get3A_503 = vector.load %arg35[%get3A_501, %get3A_502] : memref<8x128xf32, #tpu.memory_space<vmem>>, vector<8x128xf32>
    %get3A_504 = arith.constant 0 : index
    %get3A_505 = arith.constant 0 : index
    %get3A_506 = vector.load %arg1[%get3A_504, %get3A_505] : memref<256x4xf32, #tpu.memory_space<vmem>>, vector<256x4xf32>
    %slice3A_507 = vector.extract_strided_slice %get3A_503 {offsets = [0, 0], sizes = [4, 128], strides = [1, 1]} : vector<8x128xf32> to vector<4x128xf32>
    %dot_general3A_508 = arith.constant dense<0.000000e+00> : vector<256x128xf32>
    %dot_general3A_509 = tpu.matmul %get3A_506, %slice3A_507, %dot_general3A_508 {dimension_numbers = #tpu.dot_dimension_numbers<[1], [0], [0], [1], [0, 0, 1, 1], [], []>, transpose_lhs_hint = false} : vector<256x4xf32>, vector<4x128xf32>, vector<256x128xf32> -> vector<256x128xf32>
    %slice3A_510 = vector.extract_strided_slice %get3A_503 {offsets = [4, 0], sizes = [3, 128], strides = [1, 1]} : vector<8x128xf32> to vector<3x128xf32>
    %dot_general3A_511 = arith.constant dense<0.000000e+00> : vector<256x128xf32>
    %dot_general3A_512 = tpu.matmul %convert_element_type3A_496, %slice3A_510, %dot_general3A_511 {dimension_numbers = #tpu.dot_dimension_numbers<[1], [0], [0], [1], [0, 0, 1, 1], [], []>, transpose_lhs_hint = false} : vector<256x3xf32>, vector<3x128xf32>, vector<256x128xf32> -> vector<256x128xf32>
    %add3A_513 = arith.addf %dot_general3A_509, %dot_general3A_512 : vector<256x128xf32>
    %slice3A_514 = vector.extract_strided_slice %get3A_503 {offsets = [7, 0], sizes = [1, 128], strides = [1, 1]} : vector<8x128xf32> to vector<1x128xf32>
    %squeeze3A = vector.shape_cast %slice3A_514 : vector<1x128xf32> to vector<128xf32>
    %broadcast_in_dim3A_515 = vector.shape_cast %squeeze3A : vector<128xf32> to vector<1x128xf32>
    %mul3A_516 = vector.broadcast %convert_element_type3A_500 : vector<256x1xf32> to vector<256x128xf32>
    %mul3A_517 = vector.broadcast %broadcast_in_dim3A_515 : vector<1x128xf32> to vector<256x128xf32>
    %mul3A_518 = arith.mulf %mul3A_516, %mul3A_517 : vector<256x128xf32>
    %add3A_519 = arith.addf %add3A_513, %mul3A_518 : vector<256x128xf32>
    %get3A_520 = arith.constant 0 : index
    %get3A_521 = arith.constant 0 : index
    %get3A_522 = vector.load %arg36[%get3A_520, %get3A_521] : memref<1x128xf32, #tpu.memory_space<vmem>>, vector<1x128xf32>
    %add3A_523 = vector.broadcast %get3A_522 : vector<1x128xf32> to vector<256x128xf32>
    %add3A_524 = arith.addf %add3A_519, %add3A_523 : vector<256x128xf32>
    %add3A_525 = arith.addf %add3A_524, %reshape3A_483 : vector<256x128xf32>
    %get3A_526 = arith.constant 0 : index
    %get3A_527 = arith.constant 0 : index
    %get3A_528 = vector.load %arg7[%get3A_526, %get3A_527] : memref<256x256xf32, #tpu.memory_space<vmem>>, vector<256x256xf32>
    %reduce_sum3A_529 = arith.constant dense<0.000000e+00> : vector<256xf32>
    %reduce_sum3A_530 = vector.multi_reduction <add>, %get3A_528, %reduce_sum3A_529 [1] : vector<256x256xf32> to vector<256xf32>
    %broadcast_in_dim3A_531 = vector.shape_cast %reduce_sum3A_530 : vector<256xf32> to vector<256x1xf32>
    %jit3A_532 = arith.constant 1.000000e+00 : f32
    %max3A_533 = vector.broadcast %jit3A_532 : f32 to vector<256x1xf32>
    %max3A_534 = arith.maximumf %max3A_533, %broadcast_in_dim3A_531 : vector<256x1xf32>
    %div3A_535 = vector.broadcast %max3A_534 : vector<256x1xf32> to vector<256x256xf32>
    %div3A_536 = arith.divf %get3A_528, %div3A_535 : vector<256x256xf32>
    %dot_general3A_537 = arith.constant dense<0.000000e+00> : vector<256x128xf32>
    %dot_general3A_538 = tpu.matmul %div3A_536, %add3A_525, %dot_general3A_537 {dimension_numbers = #tpu.dot_dimension_numbers<[1], [0], [0], [1], [0, 0, 1, 1], [], []>, precision = #tpu.contract_precision<fp32>, transpose_lhs_hint = false} : vector<256x256xf32>, vector<256x128xf32>, vector<256x128xf32> -> vector<256x128xf32>
    %get3A_539 = arith.constant 0 : index
    %get3A_540 = arith.constant 0 : index
    %get3A_541 = vector.load %arg38[%get3A_539, %get3A_540] : memref<128x128xf32, #tpu.memory_space<vmem>>, vector<128x128xf32>
    %dot_general3A_542 = arith.constant dense<0.000000e+00> : vector<256x128xf32>
    %dot_general3A_543 = tpu.matmul %dot_general3A_538, %get3A_541, %dot_general3A_542 {dimension_numbers = #tpu.dot_dimension_numbers<[1], [0], [0], [1], [0, 0, 1, 1], [], []>, transpose_lhs_hint = false} : vector<256x128xf32>, vector<128x128xf32>, vector<256x128xf32> -> vector<256x128xf32>
    %get3A_544 = arith.constant 0 : index
    %get3A_545 = arith.constant 0 : index
    %get3A_546 = vector.load %arg37[%get3A_544, %get3A_545] : memref<128x128xf32, #tpu.memory_space<vmem>>, vector<128x128xf32>
    %dot_general3A_547 = arith.constant dense<0.000000e+00> : vector<256x128xf32>
    %dot_general3A_548 = tpu.matmul %add3A_525, %get3A_546, %dot_general3A_547 {dimension_numbers = #tpu.dot_dimension_numbers<[1], [0], [0], [1], [0, 0, 1, 1], [], []>, transpose_lhs_hint = false} : vector<256x128xf32>, vector<128x128xf32>, vector<256x128xf32> -> vector<256x128xf32>
    %add3A_549 = arith.addf %dot_general3A_548, %dot_general3A_543 : vector<256x128xf32>
    %get3A_550 = arith.constant 0 : index
    %get3A_551 = arith.constant 0 : index
    %get3A_552 = vector.load %arg39[%get3A_550, %get3A_551] : memref<1x128xf32, #tpu.memory_space<vmem>>, vector<1x128xf32>
    %add3A_553 = vector.broadcast %get3A_552 : vector<1x128xf32> to vector<256x128xf32>
    %add3A_554 = arith.addf %add3A_549, %add3A_553 : vector<256x128xf32>
    %add3A_555 = arith.addf %add3A_554, %reshape3A_483 : vector<256x128xf32>
    %get3A_556 = arith.constant 0 : index
    %get3A_557 = arith.constant 0 : index
    %get3A_558 = vector.load %arg40[%get3A_556, %get3A_557] : memref<1x128xf32, #tpu.memory_space<vmem>>, vector<1x128xf32>
    %get3A_559 = arith.constant 0 : index
    %get3A_560 = arith.constant 0 : index
    %get3A_561 = vector.load %arg41[%get3A_559, %get3A_560] : memref<1x128xf32, #tpu.memory_space<vmem>>, vector<1x128xf32>
    %reduce_sum3A_562 = arith.constant dense<0.000000e+00> : vector<256xf32>
    %reduce_sum3A_563 = vector.multi_reduction <add>, %add3A_555, %reduce_sum3A_562 [1] : vector<256x128xf32> to vector<256xf32>
    %broadcast_in_dim3A_564 = vector.shape_cast %reduce_sum3A_563 : vector<256xf32> to vector<256x1xf32>
    %div3A_565 = arith.constant 1.280000e+02 : f32
    %div3A_566 = vector.broadcast %div3A_565 : f32 to vector<256x1xf32>
    %div3A_567 = arith.divf %broadcast_in_dim3A_564, %div3A_566 : vector<256x1xf32>
    %sub3A_568 = vector.broadcast %div3A_567 : vector<256x1xf32> to vector<256x128xf32>
    %sub3A_569 = arith.subf %add3A_555, %sub3A_568 : vector<256x128xf32>
    %integer_pow3A_570 = arith.mulf %sub3A_569, %sub3A_569 : vector<256x128xf32>
    %reduce_sum3A_571 = arith.constant dense<0.000000e+00> : vector<256xf32>
    %reduce_sum3A_572 = vector.multi_reduction <add>, %integer_pow3A_570, %reduce_sum3A_571 [1] : vector<256x128xf32> to vector<256xf32>
    %broadcast_in_dim3A_573 = vector.shape_cast %reduce_sum3A_572 : vector<256xf32> to vector<256x1xf32>
    %div3A_574 = arith.constant 1.280000e+02 : f32
    %div3A_575 = vector.broadcast %div3A_574 : f32 to vector<256x1xf32>
    %div3A_576 = arith.divf %broadcast_in_dim3A_573, %div3A_575 : vector<256x1xf32>
    %sub3A_577 = vector.broadcast %div3A_567 : vector<256x1xf32> to vector<256x128xf32>
    %sub3A_578 = arith.subf %add3A_555, %sub3A_577 : vector<256x128xf32>
    %add3A_579 = arith.constant 9.99999974E-6 : f32
    %add3A_580 = vector.broadcast %add3A_579 : f32 to vector<256x1xf32>
    %add3A_581 = arith.addf %div3A_576, %add3A_580 : vector<256x1xf32>
    %rsqrt3A_582 = math.rsqrt %add3A_581 : vector<256x1xf32>
    %mul3A_583 = vector.broadcast %rsqrt3A_582 : vector<256x1xf32> to vector<256x128xf32>
    %mul3A_584 = arith.mulf %sub3A_578, %mul3A_583 : vector<256x128xf32>
    %mul3A_585 = vector.broadcast %get3A_558 : vector<1x128xf32> to vector<256x128xf32>
    %mul3A_586 = arith.mulf %mul3A_584, %mul3A_585 : vector<256x128xf32>
    %add3A_587 = vector.broadcast %get3A_561 : vector<1x128xf32> to vector<256x128xf32>
    %add3A_588 = arith.addf %mul3A_586, %add3A_587 : vector<256x128xf32>
    %max3A_589 = arith.constant 0.000000e+00 : f32
    %max3A_590 = vector.broadcast %max3A_589 : f32 to vector<256x128xf32>
    %max3A_591 = arith.maximumf %add3A_588, %max3A_590 : vector<256x128xf32>
    %dot_general3A_592 = arith.constant dense<0.000000e+00> : vector<256x128xf32>
    %dot_general3A_593 = tpu.matmul %div3A_536, %max3A_591, %dot_general3A_592 {dimension_numbers = #tpu.dot_dimension_numbers<[1], [0], [0], [1], [0, 0, 1, 1], [], []>, precision = #tpu.contract_precision<fp32>, transpose_lhs_hint = false} : vector<256x256xf32>, vector<256x128xf32>, vector<256x128xf32> -> vector<256x128xf32>
    %get3A_594 = arith.constant 0 : index
    %get3A_595 = arith.constant 0 : index
    %get3A_596 = vector.load %arg43[%get3A_594, %get3A_595] : memref<128x128xf32, #tpu.memory_space<vmem>>, vector<128x128xf32>
    %dot_general3A_597 = arith.constant dense<0.000000e+00> : vector<256x128xf32>
    %dot_general3A_598 = tpu.matmul %dot_general3A_593, %get3A_596, %dot_general3A_597 {dimension_numbers = #tpu.dot_dimension_numbers<[1], [0], [0], [1], [0, 0, 1, 1], [], []>, transpose_lhs_hint = false} : vector<256x128xf32>, vector<128x128xf32>, vector<256x128xf32> -> vector<256x128xf32>
    %get3A_599 = arith.constant 0 : index
    %get3A_600 = arith.constant 0 : index
    %get3A_601 = vector.load %arg42[%get3A_599, %get3A_600] : memref<128x128xf32, #tpu.memory_space<vmem>>, vector<128x128xf32>
    %dot_general3A_602 = arith.constant dense<0.000000e+00> : vector<256x128xf32>
    %dot_general3A_603 = tpu.matmul %max3A_591, %get3A_601, %dot_general3A_602 {dimension_numbers = #tpu.dot_dimension_numbers<[1], [0], [0], [1], [0, 0, 1, 1], [], []>, transpose_lhs_hint = false} : vector<256x128xf32>, vector<128x128xf32>, vector<256x128xf32> -> vector<256x128xf32>
    %add3A_604 = arith.addf %dot_general3A_603, %dot_general3A_598 : vector<256x128xf32>
    %get3A_605 = arith.constant 0 : index
    %get3A_606 = arith.constant 0 : index
    %get3A_607 = vector.load %arg44[%get3A_605, %get3A_606] : memref<1x128xf32, #tpu.memory_space<vmem>>, vector<1x128xf32>
    %add3A_608 = vector.broadcast %get3A_607 : vector<1x128xf32> to vector<256x128xf32>
    %add3A_609 = arith.addf %add3A_604, %add3A_608 : vector<256x128xf32>
    %add3A_610 = arith.addf %add3A_609, %reshape3A_483 : vector<256x128xf32>
    %get3A_611 = arith.constant 0 : index
    %get3A_612 = arith.constant 0 : index
    %get3A_613 = vector.load %arg45[%get3A_611, %get3A_612] : memref<1x128xf32, #tpu.memory_space<vmem>>, vector<1x128xf32>
    %get3A_614 = arith.constant 0 : index
    %get3A_615 = arith.constant 0 : index
    %get3A_616 = vector.load %arg46[%get3A_614, %get3A_615] : memref<1x128xf32, #tpu.memory_space<vmem>>, vector<1x128xf32>
    %reduce_sum3A_617 = arith.constant dense<0.000000e+00> : vector<256xf32>
    %reduce_sum3A_618 = vector.multi_reduction <add>, %add3A_610, %reduce_sum3A_617 [1] : vector<256x128xf32> to vector<256xf32>
    %broadcast_in_dim3A_619 = vector.shape_cast %reduce_sum3A_618 : vector<256xf32> to vector<256x1xf32>
    %div3A_620 = arith.constant 1.280000e+02 : f32
    %div3A_621 = vector.broadcast %div3A_620 : f32 to vector<256x1xf32>
    %div3A_622 = arith.divf %broadcast_in_dim3A_619, %div3A_621 : vector<256x1xf32>
    %sub3A_623 = vector.broadcast %div3A_622 : vector<256x1xf32> to vector<256x128xf32>
    %sub3A_624 = arith.subf %add3A_610, %sub3A_623 : vector<256x128xf32>
    %integer_pow3A_625 = arith.mulf %sub3A_624, %sub3A_624 : vector<256x128xf32>
    %reduce_sum3A_626 = arith.constant dense<0.000000e+00> : vector<256xf32>
    %reduce_sum3A_627 = vector.multi_reduction <add>, %integer_pow3A_625, %reduce_sum3A_626 [1] : vector<256x128xf32> to vector<256xf32>
    %broadcast_in_dim3A_628 = vector.shape_cast %reduce_sum3A_627 : vector<256xf32> to vector<256x1xf32>
    %div3A_629 = arith.constant 1.280000e+02 : f32
    %div3A_630 = vector.broadcast %div3A_629 : f32 to vector<256x1xf32>
    %div3A_631 = arith.divf %broadcast_in_dim3A_628, %div3A_630 : vector<256x1xf32>
    %sub3A_632 = vector.broadcast %div3A_622 : vector<256x1xf32> to vector<256x128xf32>
    %sub3A_633 = arith.subf %add3A_610, %sub3A_632 : vector<256x128xf32>
    %add3A_634 = arith.constant 9.99999974E-6 : f32
    %add3A_635 = vector.broadcast %add3A_634 : f32 to vector<256x1xf32>
    %add3A_636 = arith.addf %div3A_631, %add3A_635 : vector<256x1xf32>
    %rsqrt3A_637 = math.rsqrt %add3A_636 : vector<256x1xf32>
    %mul3A_638 = vector.broadcast %rsqrt3A_637 : vector<256x1xf32> to vector<256x128xf32>
    %mul3A_639 = arith.mulf %sub3A_633, %mul3A_638 : vector<256x128xf32>
    %mul3A_640 = vector.broadcast %get3A_613 : vector<1x128xf32> to vector<256x128xf32>
    %mul3A_641 = arith.mulf %mul3A_639, %mul3A_640 : vector<256x128xf32>
    %add3A_642 = vector.broadcast %get3A_616 : vector<1x128xf32> to vector<256x128xf32>
    %add3A_643 = arith.addf %mul3A_641, %add3A_642 : vector<256x128xf32>
    %max3A_644 = arith.constant 0.000000e+00 : f32
    %max3A_645 = vector.broadcast %max3A_644 : f32 to vector<256x128xf32>
    %max3A_646 = arith.maximumf %add3A_643, %max3A_645 : vector<256x128xf32>
    %dot_general3A_647 = arith.constant dense<0.000000e+00> : vector<256x128xf32>
    %dot_general3A_648 = tpu.matmul %div3A_536, %max3A_646, %dot_general3A_647 {dimension_numbers = #tpu.dot_dimension_numbers<[1], [0], [0], [1], [0, 0, 1, 1], [], []>, precision = #tpu.contract_precision<fp32>, transpose_lhs_hint = false} : vector<256x256xf32>, vector<256x128xf32>, vector<256x128xf32> -> vector<256x128xf32>
    %get3A_649 = arith.constant 0 : index
    %get3A_650 = arith.constant 0 : index
    %get3A_651 = vector.load %arg48[%get3A_649, %get3A_650] : memref<128x128xf32, #tpu.memory_space<vmem>>, vector<128x128xf32>
    %dot_general3A_652 = arith.constant dense<0.000000e+00> : vector<256x128xf32>
    %dot_general3A_653 = tpu.matmul %dot_general3A_648, %get3A_651, %dot_general3A_652 {dimension_numbers = #tpu.dot_dimension_numbers<[1], [0], [0], [1], [0, 0, 1, 1], [], []>, transpose_lhs_hint = false} : vector<256x128xf32>, vector<128x128xf32>, vector<256x128xf32> -> vector<256x128xf32>
    %get3A_654 = arith.constant 0 : index
    %get3A_655 = arith.constant 0 : index
    %get3A_656 = vector.load %arg47[%get3A_654, %get3A_655] : memref<128x128xf32, #tpu.memory_space<vmem>>, vector<128x128xf32>
    %dot_general3A_657 = arith.constant dense<0.000000e+00> : vector<256x128xf32>
    %dot_general3A_658 = tpu.matmul %max3A_646, %get3A_656, %dot_general3A_657 {dimension_numbers = #tpu.dot_dimension_numbers<[1], [0], [0], [1], [0, 0, 1, 1], [], []>, transpose_lhs_hint = false} : vector<256x128xf32>, vector<128x128xf32>, vector<256x128xf32> -> vector<256x128xf32>
    %add3A_659 = arith.addf %dot_general3A_658, %dot_general3A_653 : vector<256x128xf32>
    %get3A_660 = arith.constant 0 : index
    %get3A_661 = arith.constant 0 : index
    %get3A_662 = vector.load %arg49[%get3A_660, %get3A_661] : memref<1x128xf32, #tpu.memory_space<vmem>>, vector<1x128xf32>
    %add3A_663 = vector.broadcast %get3A_662 : vector<1x128xf32> to vector<256x128xf32>
    %add3A_664 = arith.addf %add3A_659, %add3A_663 : vector<256x128xf32>
    %add3A_665 = arith.addf %add3A_664, %reshape3A_483 : vector<256x128xf32>
    %get3A_666 = arith.constant 0 : index
    %get3A_667 = arith.constant 0 : index
    %get3A_668 = vector.load %arg50[%get3A_666, %get3A_667] : memref<1x128xf32, #tpu.memory_space<vmem>>, vector<1x128xf32>
    %get3A_669 = arith.constant 0 : index
    %get3A_670 = arith.constant 0 : index
    %get3A_671 = vector.load %arg51[%get3A_669, %get3A_670] : memref<1x128xf32, #tpu.memory_space<vmem>>, vector<1x128xf32>
    %reduce_sum3A_672 = arith.constant dense<0.000000e+00> : vector<256xf32>
    %reduce_sum3A_673 = vector.multi_reduction <add>, %add3A_665, %reduce_sum3A_672 [1] : vector<256x128xf32> to vector<256xf32>
    %broadcast_in_dim3A_674 = vector.shape_cast %reduce_sum3A_673 : vector<256xf32> to vector<256x1xf32>
    %div3A_675 = arith.constant 1.280000e+02 : f32
    %div3A_676 = vector.broadcast %div3A_675 : f32 to vector<256x1xf32>
    %div3A_677 = arith.divf %broadcast_in_dim3A_674, %div3A_676 : vector<256x1xf32>
    %sub3A_678 = vector.broadcast %div3A_677 : vector<256x1xf32> to vector<256x128xf32>
    %sub3A_679 = arith.subf %add3A_665, %sub3A_678 : vector<256x128xf32>
    %integer_pow3A_680 = arith.mulf %sub3A_679, %sub3A_679 : vector<256x128xf32>
    %reduce_sum3A_681 = arith.constant dense<0.000000e+00> : vector<256xf32>
    %reduce_sum3A_682 = vector.multi_reduction <add>, %integer_pow3A_680, %reduce_sum3A_681 [1] : vector<256x128xf32> to vector<256xf32>
    %broadcast_in_dim3A_683 = vector.shape_cast %reduce_sum3A_682 : vector<256xf32> to vector<256x1xf32>
    %div3A_684 = arith.constant 1.280000e+02 : f32
    %div3A_685 = vector.broadcast %div3A_684 : f32 to vector<256x1xf32>
    %div3A_686 = arith.divf %broadcast_in_dim3A_683, %div3A_685 : vector<256x1xf32>
    %sub3A_687 = vector.broadcast %div3A_677 : vector<256x1xf32> to vector<256x128xf32>
    %sub3A_688 = arith.subf %add3A_665, %sub3A_687 : vector<256x128xf32>
    %add3A_689 = arith.constant 9.99999974E-6 : f32
    %add3A_690 = vector.broadcast %add3A_689 : f32 to vector<256x1xf32>
    %add3A_691 = arith.addf %div3A_686, %add3A_690 : vector<256x1xf32>
    %rsqrt3A_692 = math.rsqrt %add3A_691 : vector<256x1xf32>
    %mul3A_693 = vector.broadcast %rsqrt3A_692 : vector<256x1xf32> to vector<256x128xf32>
    %mul3A_694 = arith.mulf %sub3A_688, %mul3A_693 : vector<256x128xf32>
    %mul3A_695 = vector.broadcast %get3A_668 : vector<1x128xf32> to vector<256x128xf32>
    %mul3A_696 = arith.mulf %mul3A_694, %mul3A_695 : vector<256x128xf32>
    %add3A_697 = vector.broadcast %get3A_671 : vector<1x128xf32> to vector<256x128xf32>
    %add3A_698 = arith.addf %mul3A_696, %add3A_697 : vector<256x128xf32>
    %max3A_699 = arith.constant 0.000000e+00 : f32
    %max3A_700 = vector.broadcast %max3A_699 : f32 to vector<256x128xf32>
    %max3A_701 = arith.maximumf %add3A_698, %max3A_700 : vector<256x128xf32>
    %dot_general3A_702 = arith.constant dense<0.000000e+00> : vector<256x128xf32>
    %dot_general3A_703 = tpu.matmul %div3A_536, %max3A_701, %dot_general3A_702 {dimension_numbers = #tpu.dot_dimension_numbers<[1], [0], [0], [1], [0, 0, 1, 1], [], []>, precision = #tpu.contract_precision<fp32>, transpose_lhs_hint = false} : vector<256x256xf32>, vector<256x128xf32>, vector<256x128xf32> -> vector<256x128xf32>
    %get3A_704 = arith.constant 0 : index
    %get3A_705 = arith.constant 0 : index
    %get3A_706 = vector.load %arg53[%get3A_704, %get3A_705] : memref<128x128xf32, #tpu.memory_space<vmem>>, vector<128x128xf32>
    %dot_general3A_707 = arith.constant dense<0.000000e+00> : vector<256x128xf32>
    %dot_general3A_708 = tpu.matmul %dot_general3A_703, %get3A_706, %dot_general3A_707 {dimension_numbers = #tpu.dot_dimension_numbers<[1], [0], [0], [1], [0, 0, 1, 1], [], []>, transpose_lhs_hint = false} : vector<256x128xf32>, vector<128x128xf32>, vector<256x128xf32> -> vector<256x128xf32>
    %get3A_709 = arith.constant 0 : index
    %get3A_710 = arith.constant 0 : index
    %get3A_711 = vector.load %arg52[%get3A_709, %get3A_710] : memref<128x128xf32, #tpu.memory_space<vmem>>, vector<128x128xf32>
    %dot_general3A_712 = arith.constant dense<0.000000e+00> : vector<256x128xf32>
    %dot_general3A_713 = tpu.matmul %max3A_701, %get3A_711, %dot_general3A_712 {dimension_numbers = #tpu.dot_dimension_numbers<[1], [0], [0], [1], [0, 0, 1, 1], [], []>, transpose_lhs_hint = false} : vector<256x128xf32>, vector<128x128xf32>, vector<256x128xf32> -> vector<256x128xf32>
    %add3A_714 = arith.addf %dot_general3A_713, %dot_general3A_708 : vector<256x128xf32>
    %get3A_715 = arith.constant 0 : index
    %get3A_716 = arith.constant 0 : index
    %get3A_717 = vector.load %arg54[%get3A_715, %get3A_716] : memref<1x128xf32, #tpu.memory_space<vmem>>, vector<1x128xf32>
    %add3A_718 = vector.broadcast %get3A_717 : vector<1x128xf32> to vector<256x128xf32>
    %add3A_719 = arith.addf %add3A_714, %add3A_718 : vector<256x128xf32>
    %add3A_720 = arith.addf %add3A_719, %reshape3A_483 : vector<256x128xf32>
    %get3A_721 = arith.constant 0 : index
    %get3A_722 = arith.constant 0 : index
    %get3A_723 = vector.load %arg55[%get3A_721, %get3A_722] : memref<1x128xf32, #tpu.memory_space<vmem>>, vector<1x128xf32>
    %get3A_724 = arith.constant 0 : index
    %get3A_725 = arith.constant 0 : index
    %get3A_726 = vector.load %arg56[%get3A_724, %get3A_725] : memref<1x128xf32, #tpu.memory_space<vmem>>, vector<1x128xf32>
    %reduce_sum3A_727 = arith.constant dense<0.000000e+00> : vector<256xf32>
    %reduce_sum3A_728 = vector.multi_reduction <add>, %add3A_720, %reduce_sum3A_727 [1] : vector<256x128xf32> to vector<256xf32>
    %broadcast_in_dim3A_729 = vector.shape_cast %reduce_sum3A_728 : vector<256xf32> to vector<256x1xf32>
    %div3A_730 = arith.constant 1.280000e+02 : f32
    %div3A_731 = vector.broadcast %div3A_730 : f32 to vector<256x1xf32>
    %div3A_732 = arith.divf %broadcast_in_dim3A_729, %div3A_731 : vector<256x1xf32>
    %sub3A_733 = vector.broadcast %div3A_732 : vector<256x1xf32> to vector<256x128xf32>
    %sub3A_734 = arith.subf %add3A_720, %sub3A_733 : vector<256x128xf32>
    %integer_pow3A_735 = arith.mulf %sub3A_734, %sub3A_734 : vector<256x128xf32>
    %reduce_sum3A_736 = arith.constant dense<0.000000e+00> : vector<256xf32>
    %reduce_sum3A_737 = vector.multi_reduction <add>, %integer_pow3A_735, %reduce_sum3A_736 [1] : vector<256x128xf32> to vector<256xf32>
    %broadcast_in_dim3A_738 = vector.shape_cast %reduce_sum3A_737 : vector<256xf32> to vector<256x1xf32>
    %div3A_739 = arith.constant 1.280000e+02 : f32
    %div3A_740 = vector.broadcast %div3A_739 : f32 to vector<256x1xf32>
    %div3A_741 = arith.divf %broadcast_in_dim3A_738, %div3A_740 : vector<256x1xf32>
    %sub3A_742 = vector.broadcast %div3A_732 : vector<256x1xf32> to vector<256x128xf32>
    %sub3A_743 = arith.subf %add3A_720, %sub3A_742 : vector<256x128xf32>
    %add3A_744 = arith.constant 9.99999974E-6 : f32
    %add3A_745 = vector.broadcast %add3A_744 : f32 to vector<256x1xf32>
    %add3A_746 = arith.addf %div3A_741, %add3A_745 : vector<256x1xf32>
    %rsqrt3A_747 = math.rsqrt %add3A_746 : vector<256x1xf32>
    %mul3A_748 = vector.broadcast %rsqrt3A_747 : vector<256x1xf32> to vector<256x128xf32>
    %mul3A_749 = arith.mulf %sub3A_743, %mul3A_748 : vector<256x128xf32>
    %mul3A_750 = vector.broadcast %get3A_723 : vector<1x128xf32> to vector<256x128xf32>
    %mul3A_751 = arith.mulf %mul3A_749, %mul3A_750 : vector<256x128xf32>
    %add3A_752 = vector.broadcast %get3A_726 : vector<1x128xf32> to vector<256x128xf32>
    %add3A_753 = arith.addf %mul3A_751, %add3A_752 : vector<256x128xf32>
    %max3A_754 = arith.constant 0.000000e+00 : f32
    %max3A_755 = vector.broadcast %max3A_754 : f32 to vector<256x128xf32>
    %max3A_756 = arith.maximumf %add3A_753, %max3A_755 : vector<256x128xf32>
    %get3A_757 = arith.constant 0 : index
    %get3A_758 = arith.constant 0 : index
    %get3A_759 = vector.load %arg57[%get3A_757, %get3A_758] : memref<128x128xf32, #tpu.memory_space<vmem>>, vector<128x128xf32>
    %dot_general3A_760 = arith.constant dense<0.000000e+00> : vector<256x128xf32>
    %dot_general3A_761 = tpu.matmul %max3A_756, %get3A_759, %dot_general3A_760 {dimension_numbers = #tpu.dot_dimension_numbers<[1], [0], [0], [1], [0, 0, 1, 1], [], []>, transpose_lhs_hint = false} : vector<256x128xf32>, vector<128x128xf32>, vector<256x128xf32> -> vector<256x128xf32>
    %get3A_762 = arith.constant 0 : index
    %get3A_763 = arith.constant 0 : index
    %get3A_764 = vector.load %arg59[%get3A_762, %get3A_763] : memref<128x128xf32, #tpu.memory_space<vmem>>, vector<128x128xf32>
    %dot_general3A_765 = arith.constant dense<0.000000e+00> : vector<256x128xf32>
    %dot_general3A_766 = tpu.matmul %reshape3A_483, %get3A_764, %dot_general3A_765 {dimension_numbers = #tpu.dot_dimension_numbers<[1], [0], [0], [1], [0, 0, 1, 1], [], []>, transpose_lhs_hint = false} : vector<256x128xf32>, vector<128x128xf32>, vector<256x128xf32> -> vector<256x128xf32>
    %add3A_767 = arith.addf %dot_general3A_761, %dot_general3A_766 : vector<256x128xf32>
    %get3A_768 = arith.constant 0 : index
    %get3A_769 = arith.constant 0 : index
    %get3A_770 = vector.load %arg60[%get3A_768, %get3A_769] : memref<1x128xf32, #tpu.memory_space<vmem>>, vector<1x128xf32>
    %add3A_771 = vector.broadcast %get3A_770 : vector<1x128xf32> to vector<256x128xf32>
    %add3A_772 = arith.addf %add3A_767, %add3A_771 : vector<256x128xf32>
    %add3A_773 = arith.addf %add3A_772, %reshape3A_483 : vector<256x128xf32>
    %swap3A = arith.constant 0 : index
    %swap3A_774 = arith.constant 0 : index
    %swap3A_775 = vector.load %arg61[%swap3A, %swap3A_774] : memref<256x128xf32, #tpu.memory_space<vmem>>, vector<256x128xf32>
    tpu.vector_store %arg61[%swap3A, %swap3A_774], %add3A_773 {strides = array<i32>} : memref<256x128xf32, #tpu.memory_space<vmem>>, vector<256x128xf32>,
    %get3A_776 = arith.constant 0 : index
    %get3A_777 = arith.constant 0 : index
    %get3A_778 = vector.load %arg58[%get3A_776, %get3A_777] : memref<128x128xf32, #tpu.memory_space<vmem>>, vector<128x128xf32>
    %dot_general3A_779 = arith.constant dense<0.000000e+00> : vector<256x128xf32>
    %dot_general3A_780 = tpu.matmul %max3A_756, %get3A_778, %dot_general3A_779 {dimension_numbers = #tpu.dot_dimension_numbers<[1], [0], [0], [1], [0, 0, 1, 1], [], []>, transpose_lhs_hint = false} : vector<256x128xf32>, vector<128x128xf32>, vector<256x128xf32> -> vector<256x128xf32>
    %swap3A_781 = arith.constant 0 : index
    %swap3A_782 = arith.constant 0 : index
    %swap3A_783 = vector.load %arg62[%swap3A_781, %swap3A_782] : memref<256x128xf32, #tpu.memory_space<vmem>>, vector<256x128xf32>
    tpu.vector_store %arg62[%swap3A_781, %swap3A_782], %dot_general3A_780 {strides = array<i32>} : memref<256x128xf32, #tpu.memory_space<vmem>>, vector<256x128xf32>,
    %swap3A_784 = arith.constant 0 : index
    %swap3A_785 = arith.constant 0 : index
    %swap3A_786 = vector.load %arg63[%swap3A_784, %swap3A_785] : memref<256x128xf32, #tpu.memory_space<vmem>>, vector<256x128xf32>
    tpu.vector_store %arg63[%swap3A_784, %swap3A_785], %reshape3A_483 {strides = array<i32>} : memref<256x128xf32, #tpu.memory_space<vmem>>, vector<256x128xf32>,
    return
  }
}

module attributes {stable_mosaic.version = 14 : i64} {
  func.func @_edge_body(%arg0: i32, %arg1: memref<32x256x4xf32, #tpu.memory_space<vmem>>, %arg2: memref<32x128xf32, #tpu.memory_space<vmem>>, %arg3: memref<256x128xf32, #tpu.memory_space<vmem>>, %arg4: memref<32x128xf32, #tpu.memory_space<vmem>>, %arg5: memref<4x128xf32, #tpu.memory_space<vmem>>, %arg6: memref<128x128xf32, #tpu.memory_space<vmem>>, %arg7: memref<1x128xf32, #tpu.memory_space<vmem>>, %arg8: memref<128x128xf32, #tpu.memory_space<vmem>>, %arg9: memref<1x128xf32, #tpu.memory_space<vmem>>, %arg10: memref<1x128xf32, #tpu.memory_space<vmem>>, %arg11: memref<1x128xf32, #tpu.memory_space<vmem>>, %arg12: memref<128x128xf32, #tpu.memory_space<vmem>>, %arg13: memref<1x128xf32, #tpu.memory_space<vmem>>, %arg14: memref<128x128xf32, #tpu.memory_space<vmem>>, %arg15: memref<1x128xf32, #tpu.memory_space<vmem>>, %arg16: memref<1x128xf32, #tpu.memory_space<vmem>>, %arg17: memref<1x128xf32, #tpu.memory_space<vmem>>, %arg18: memref<128x128xf32, #tpu.memory_space<vmem>>, %arg19: memref<1x128xf32, #tpu.memory_space<vmem>>, %arg20: memref<128x128xf32, #tpu.memory_space<vmem>>, %arg21: memref<1x128xf32, #tpu.memory_space<vmem>>, %arg22: memref<1x128xf32, #tpu.memory_space<vmem>>, %arg23: memref<1x128xf32, #tpu.memory_space<vmem>>, %arg24: memref<128x4xf32, #tpu.memory_space<vmem>>, %arg25: memref<1x4xf32, #tpu.memory_space<vmem>>, %arg26: memref<32x256x4xf32, #tpu.memory_space<vmem>>) attributes {dimension_semantics = [#tpu.dimension_semantics<arbitrary>], iteration_bounds = array<i64: 8>, scalar_prefetch = 0 : i64, scratch_operands = 0 : i64, tpu.core_type = #tpu.core_type<tc>, window_params = [{transform_indices = @transform_0, window_bounds = array<i64: 32, 256, 4>}, {transform_indices = @transform_1, window_bounds = array<i64: 32, 128>}, {pipeline_mode = #tpu.pipeline_mode<synchronous>, transform_indices = @transform_2, window_bounds = array<i64: 256, 128>}, {transform_indices = @transform_3, window_bounds = array<i64: 32, 128>}, {pipeline_mode = #tpu.pipeline_mode<synchronous>, transform_indices = @transform_4, window_bounds = array<i64: 4, 128>}, {pipeline_mode = #tpu.pipeline_mode<synchronous>, transform_indices = @transform_5, window_bounds = array<i64: 128, 128>}, {pipeline_mode = #tpu.pipeline_mode<synchronous>, transform_indices = @transform_6, window_bounds = array<i64: 1, 128>}, {pipeline_mode = #tpu.pipeline_mode<synchronous>, transform_indices = @transform_7, window_bounds = array<i64: 128, 128>}, {pipeline_mode = #tpu.pipeline_mode<synchronous>, transform_indices = @transform_8, window_bounds = array<i64: 1, 128>}, {pipeline_mode = #tpu.pipeline_mode<synchronous>, transform_indices = @transform_9, window_bounds = array<i64: 1, 128>}, {pipeline_mode = #tpu.pipeline_mode<synchronous>, transform_indices = @transform_10, window_bounds = array<i64: 1, 128>}, {pipeline_mode = #tpu.pipeline_mode<synchronous>, transform_indices = @transform_11, window_bounds = array<i64: 128, 128>}, {pipeline_mode = #tpu.pipeline_mode<synchronous>, transform_indices = @transform_12, window_bounds = array<i64: 1, 128>}, {pipeline_mode = #tpu.pipeline_mode<synchronous>, transform_indices = @transform_13, window_bounds = array<i64: 128, 128>}, {pipeline_mode = #tpu.pipeline_mode<synchronous>, transform_indices = @transform_14, window_bounds = array<i64: 1, 128>}, {pipeline_mode = #tpu.pipeline_mode<synchronous>, transform_indices = @transform_15, window_bounds = array<i64: 1, 128>}, {pipeline_mode = #tpu.pipeline_mode<synchronous>, transform_indices = @transform_16, window_bounds = array<i64: 1, 128>}, {pipeline_mode = #tpu.pipeline_mode<synchronous>, transform_indices = @transform_17, window_bounds = array<i64: 128, 128>}, {pipeline_mode = #tpu.pipeline_mode<synchronous>, transform_indices = @transform_18, window_bounds = array<i64: 1, 128>}, {pipeline_mode = #tpu.pipeline_mode<synchronous>, transform_indices = @transform_19, window_bounds = array<i64: 128, 128>}, {pipeline_mode = #tpu.pipeline_mode<synchronous>, transform_indices = @transform_20, window_bounds = array<i64: 1, 128>}, {pipeline_mode = #tpu.pipeline_mode<synchronous>, transform_indices = @transform_21, window_bounds = array<i64: 1, 128>}, {pipeline_mode = #tpu.pipeline_mode<synchronous>, transform_indices = @transform_22, window_bounds = array<i64: 1, 128>}, {pipeline_mode = #tpu.pipeline_mode<synchronous>, transform_indices = @transform_23, window_bounds = array<i64: 128, 4>}, {pipeline_mode = #tpu.pipeline_mode<synchronous>, transform_indices = @transform_24, window_bounds = array<i64: 1, 4>}, {transform_indices = @transform_25, window_bounds = array<i64: 32, 256, 4>}]} {
    %get3A = arith.constant 0 : index
    %get3A_0 = arith.constant 0 : index
    %get3A_1 = arith.constant 0 : index
    %get3A_2 = vector.load %arg1[%get3A, %get3A_0, %get3A_1] : memref<32x256x4xf32, #tpu.memory_space<vmem>>, vector<32x256x4xf32>
    %reshape3A = vector.shape_cast %get3A_2 : vector<32x256x4xf32> to vector<8192x4xf32>
    %get3A_3 = arith.constant 0 : index
    %get3A_4 = arith.constant 0 : index
    %get3A_5 = vector.load %arg5[%get3A_3, %get3A_4] : memref<4x128xf32, #tpu.memory_space<vmem>>, vector<4x128xf32>
    %dot_general3A = arith.constant dense<0.000000e+00> : vector<8192x128xf32>
    %dot_general3A_6 = tpu.matmul %reshape3A, %get3A_5, %dot_general3A {dimension_numbers = #tpu.dot_dimension_numbers<[1], [0], [0], [1], [0, 0, 1, 1], [], []>, transpose_lhs_hint = false} : vector<8192x4xf32>, vector<4x128xf32>, vector<8192x128xf32> -> vector<8192x128xf32>
    %reshape3A_7 = vector.shape_cast %dot_general3A_6 : vector<8192x128xf32> to vector<32x256x128xf32>
    %get3A_8 = arith.constant 0 : index
    %get3A_9 = arith.constant 0 : index
    %get3A_10 = vector.load %arg2[%get3A_8, %get3A_9] : memref<32x128xf32, #tpu.memory_space<vmem>>, vector<32x128xf32>
    %broadcast_in_dim3A = vector.shape_cast %get3A_10 : vector<32x128xf32> to vector<32x1x128xf32>
    %add3A = vector.broadcast %broadcast_in_dim3A : vector<32x1x128xf32> to vector<32x256x128xf32>
    %add3A_11 = arith.addf %reshape3A_7, %add3A : vector<32x256x128xf32>
    %get3A_12 = arith.constant 0 : index
    %get3A_13 = arith.constant 0 : index
    %get3A_14 = vector.load %arg3[%get3A_12, %get3A_13] : memref<256x128xf32, #tpu.memory_space<vmem>>, vector<256x128xf32>
    %broadcast_in_dim3A_15 = vector.shape_cast %get3A_14 : vector<256x128xf32> to vector<1x256x128xf32>
    %add3A_16 = vector.broadcast %broadcast_in_dim3A_15 : vector<1x256x128xf32> to vector<32x256x128xf32>
    %add3A_17 = arith.addf %add3A_11, %add3A_16 : vector<32x256x128xf32>
    %reshape3A_18 = vector.shape_cast %add3A_17 : vector<32x256x128xf32> to vector<8192x128xf32>
    %get3A_19 = arith.constant 0 : index
    %get3A_20 = arith.constant 0 : index
    %get3A_21 = vector.load %arg4[%get3A_19, %get3A_20] : memref<32x128xf32, #tpu.memory_space<vmem>>, vector<32x128xf32>
    %broadcast_in_dim3A_22 = vector.shape_cast %get3A_21 : vector<32x128xf32> to vector<32x1x128xf32>
    %broadcast_in_dim3A_23 = vector.shape_cast %broadcast_in_dim3A_22 : vector<32x1x128xf32> to vector<32x1x128xf32>
    %broadcast_in_dim3A_24 = vector.broadcast %broadcast_in_dim3A_23 : vector<32x1x128xf32> to vector<32x256x128xf32>
    %reshape3A_25 = vector.shape_cast %broadcast_in_dim3A_24 : vector<32x256x128xf32> to vector<8192x128xf32>
    %get3A_26 = arith.constant 0 : index
    %get3A_27 = arith.constant 0 : index
    %get3A_28 = vector.load %arg6[%get3A_26, %get3A_27] : memref<128x128xf32, #tpu.memory_space<vmem>>, vector<128x128xf32>
    %dot_general3A_29 = arith.constant dense<0.000000e+00> : vector<8192x128xf32>
    %dot_general3A_30 = tpu.matmul %reshape3A_18, %get3A_28, %dot_general3A_29 {dimension_numbers = #tpu.dot_dimension_numbers<[1], [0], [0], [1], [0, 0, 1, 1], [], []>, transpose_lhs_hint = false} : vector<8192x128xf32>, vector<128x128xf32>, vector<8192x128xf32> -> vector<8192x128xf32>
    %get3A_31 = arith.constant 0 : index
    %get3A_32 = arith.constant 0 : index
    %get3A_33 = vector.load %arg7[%get3A_31, %get3A_32] : memref<1x128xf32, #tpu.memory_space<vmem>>, vector<1x128xf32>
    %add3A_34 = vector.broadcast %get3A_33 : vector<1x128xf32> to vector<8192x128xf32>
    %add3A_35 = arith.addf %dot_general3A_30, %add3A_34 : vector<8192x128xf32>
    %logistic3A = arith.negf %add3A_35 : vector<8192x128xf32>
    %logistic3A_36 = math.exp %logistic3A : vector<8192x128xf32>
    %logistic3A_37 = arith.constant 1.000000e+00 : f32
    %logistic3A_38 = vector.broadcast %logistic3A_37 : f32 to vector<8192x128xf32>
    %logistic3A_39 = arith.addf %logistic3A_38, %logistic3A_36 : vector<8192x128xf32>
    %logistic3A_40 = arith.divf %logistic3A_38, %logistic3A_39 : vector<8192x128xf32>
    %mul3A = arith.mulf %add3A_35, %logistic3A_40 : vector<8192x128xf32>
    %get3A_41 = arith.constant 0 : index
    %get3A_42 = arith.constant 0 : index
    %get3A_43 = vector.load %arg8[%get3A_41, %get3A_42] : memref<128x128xf32, #tpu.memory_space<vmem>>, vector<128x128xf32>
    %dot_general3A_44 = arith.constant dense<0.000000e+00> : vector<8192x128xf32>
    %dot_general3A_45 = tpu.matmul %mul3A, %get3A_43, %dot_general3A_44 {dimension_numbers = #tpu.dot_dimension_numbers<[1], [0], [0], [1], [0, 0, 1, 1], [], []>, transpose_lhs_hint = false} : vector<8192x128xf32>, vector<128x128xf32>, vector<8192x128xf32> -> vector<8192x128xf32>
    %get3A_46 = arith.constant 0 : index
    %get3A_47 = arith.constant 0 : index
    %get3A_48 = vector.load %arg9[%get3A_46, %get3A_47] : memref<1x128xf32, #tpu.memory_space<vmem>>, vector<1x128xf32>
    %add3A_49 = vector.broadcast %get3A_48 : vector<1x128xf32> to vector<8192x128xf32>
    %add3A_50 = arith.addf %dot_general3A_45, %add3A_49 : vector<8192x128xf32>
    %add3A_51 = arith.addf %add3A_50, %reshape3A_25 : vector<8192x128xf32>
    %get3A_52 = arith.constant 0 : index
    %get3A_53 = arith.constant 0 : index
    %get3A_54 = vector.load %arg10[%get3A_52, %get3A_53] : memref<1x128xf32, #tpu.memory_space<vmem>>, vector<1x128xf32>
    %get3A_55 = arith.constant 0 : index
    %get3A_56 = arith.constant 0 : index
    %get3A_57 = vector.load %arg11[%get3A_55, %get3A_56] : memref<1x128xf32, #tpu.memory_space<vmem>>, vector<1x128xf32>
    %reduce_sum3A = arith.constant dense<0.000000e+00> : vector<8192xf32>
    %reduce_sum3A_58 = vector.multi_reduction <add>, %add3A_51, %reduce_sum3A [1] : vector<8192x128xf32> to vector<8192xf32>
    %broadcast_in_dim3A_59 = vector.shape_cast %reduce_sum3A_58 : vector<8192xf32> to vector<8192x1xf32>
    %div3A = arith.constant 1.280000e+02 : f32
    %div3A_60 = vector.broadcast %div3A : f32 to vector<8192x1xf32>
    %div3A_61 = arith.divf %broadcast_in_dim3A_59, %div3A_60 : vector<8192x1xf32>
    %sub3A = vector.broadcast %div3A_61 : vector<8192x1xf32> to vector<8192x128xf32>
    %sub3A_62 = arith.subf %add3A_51, %sub3A : vector<8192x128xf32>
    %integer_pow3A = arith.mulf %sub3A_62, %sub3A_62 : vector<8192x128xf32>
    %reduce_sum3A_63 = arith.constant dense<0.000000e+00> : vector<8192xf32>
    %reduce_sum3A_64 = vector.multi_reduction <add>, %integer_pow3A, %reduce_sum3A_63 [1] : vector<8192x128xf32> to vector<8192xf32>
    %broadcast_in_dim3A_65 = vector.shape_cast %reduce_sum3A_64 : vector<8192xf32> to vector<8192x1xf32>
    %div3A_66 = arith.constant 1.280000e+02 : f32
    %div3A_67 = vector.broadcast %div3A_66 : f32 to vector<8192x1xf32>
    %div3A_68 = arith.divf %broadcast_in_dim3A_65, %div3A_67 : vector<8192x1xf32>
    %sub3A_69 = vector.broadcast %div3A_61 : vector<8192x1xf32> to vector<8192x128xf32>
    %sub3A_70 = arith.subf %add3A_51, %sub3A_69 : vector<8192x128xf32>
    %add3A_71 = arith.constant 9.99999974E-6 : f32
    %add3A_72 = vector.broadcast %add3A_71 : f32 to vector<8192x1xf32>
    %add3A_73 = arith.addf %div3A_68, %add3A_72 : vector<8192x1xf32>
    %rsqrt3A = math.rsqrt %add3A_73 : vector<8192x1xf32>
    %mul3A_74 = vector.broadcast %rsqrt3A : vector<8192x1xf32> to vector<8192x128xf32>
    %mul3A_75 = arith.mulf %sub3A_70, %mul3A_74 : vector<8192x128xf32>
    %mul3A_76 = vector.broadcast %get3A_54 : vector<1x128xf32> to vector<8192x128xf32>
    %mul3A_77 = arith.mulf %mul3A_75, %mul3A_76 : vector<8192x128xf32>
    %add3A_78 = vector.broadcast %get3A_57 : vector<1x128xf32> to vector<8192x128xf32>
    %add3A_79 = arith.addf %mul3A_77, %add3A_78 : vector<8192x128xf32>
    %max3A = arith.constant 0.000000e+00 : f32
    %max3A_80 = vector.broadcast %max3A : f32 to vector<8192x128xf32>
    %max3A_81 = arith.maximumf %add3A_79, %max3A_80 : vector<8192x128xf32>
    %get3A_82 = arith.constant 0 : index
    %get3A_83 = arith.constant 0 : index
    %get3A_84 = vector.load %arg12[%get3A_82, %get3A_83] : memref<128x128xf32, #tpu.memory_space<vmem>>, vector<128x128xf32>
    %dot_general3A_85 = arith.constant dense<0.000000e+00> : vector<8192x128xf32>
    %dot_general3A_86 = tpu.matmul %max3A_81, %get3A_84, %dot_general3A_85 {dimension_numbers = #tpu.dot_dimension_numbers<[1], [0], [0], [1], [0, 0, 1, 1], [], []>, transpose_lhs_hint = false} : vector<8192x128xf32>, vector<128x128xf32>, vector<8192x128xf32> -> vector<8192x128xf32>
    %get3A_87 = arith.constant 0 : index
    %get3A_88 = arith.constant 0 : index
    %get3A_89 = vector.load %arg13[%get3A_87, %get3A_88] : memref<1x128xf32, #tpu.memory_space<vmem>>, vector<1x128xf32>
    %add3A_90 = vector.broadcast %get3A_89 : vector<1x128xf32> to vector<8192x128xf32>
    %add3A_91 = arith.addf %dot_general3A_86, %add3A_90 : vector<8192x128xf32>
    %logistic3A_92 = arith.negf %add3A_91 : vector<8192x128xf32>
    %logistic3A_93 = math.exp %logistic3A_92 : vector<8192x128xf32>
    %logistic3A_94 = arith.constant 1.000000e+00 : f32
    %logistic3A_95 = vector.broadcast %logistic3A_94 : f32 to vector<8192x128xf32>
    %logistic3A_96 = arith.addf %logistic3A_95, %logistic3A_93 : vector<8192x128xf32>
    %logistic3A_97 = arith.divf %logistic3A_95, %logistic3A_96 : vector<8192x128xf32>
    %mul3A_98 = arith.mulf %add3A_91, %logistic3A_97 : vector<8192x128xf32>
    %get3A_99 = arith.constant 0 : index
    %get3A_100 = arith.constant 0 : index
    %get3A_101 = vector.load %arg14[%get3A_99, %get3A_100] : memref<128x128xf32, #tpu.memory_space<vmem>>, vector<128x128xf32>
    %dot_general3A_102 = arith.constant dense<0.000000e+00> : vector<8192x128xf32>
    %dot_general3A_103 = tpu.matmul %mul3A_98, %get3A_101, %dot_general3A_102 {dimension_numbers = #tpu.dot_dimension_numbers<[1], [0], [0], [1], [0, 0, 1, 1], [], []>, transpose_lhs_hint = false} : vector<8192x128xf32>, vector<128x128xf32>, vector<8192x128xf32> -> vector<8192x128xf32>
    %get3A_104 = arith.constant 0 : index
    %get3A_105 = arith.constant 0 : index
    %get3A_106 = vector.load %arg15[%get3A_104, %get3A_105] : memref<1x128xf32, #tpu.memory_space<vmem>>, vector<1x128xf32>
    %add3A_107 = vector.broadcast %get3A_106 : vector<1x128xf32> to vector<8192x128xf32>
    %add3A_108 = arith.addf %dot_general3A_103, %add3A_107 : vector<8192x128xf32>
    %add3A_109 = arith.addf %add3A_108, %reshape3A_25 : vector<8192x128xf32>
    %get3A_110 = arith.constant 0 : index
    %get3A_111 = arith.constant 0 : index
    %get3A_112 = vector.load %arg16[%get3A_110, %get3A_111] : memref<1x128xf32, #tpu.memory_space<vmem>>, vector<1x128xf32>
    %get3A_113 = arith.constant 0 : index
    %get3A_114 = arith.constant 0 : index
    %get3A_115 = vector.load %arg17[%get3A_113, %get3A_114] : memref<1x128xf32, #tpu.memory_space<vmem>>, vector<1x128xf32>
    %reduce_sum3A_116 = arith.constant dense<0.000000e+00> : vector<8192xf32>
    %reduce_sum3A_117 = vector.multi_reduction <add>, %add3A_109, %reduce_sum3A_116 [1] : vector<8192x128xf32> to vector<8192xf32>
    %broadcast_in_dim3A_118 = vector.shape_cast %reduce_sum3A_117 : vector<8192xf32> to vector<8192x1xf32>
    %div3A_119 = arith.constant 1.280000e+02 : f32
    %div3A_120 = vector.broadcast %div3A_119 : f32 to vector<8192x1xf32>
    %div3A_121 = arith.divf %broadcast_in_dim3A_118, %div3A_120 : vector<8192x1xf32>
    %sub3A_122 = vector.broadcast %div3A_121 : vector<8192x1xf32> to vector<8192x128xf32>
    %sub3A_123 = arith.subf %add3A_109, %sub3A_122 : vector<8192x128xf32>
    %integer_pow3A_124 = arith.mulf %sub3A_123, %sub3A_123 : vector<8192x128xf32>
    %reduce_sum3A_125 = arith.constant dense<0.000000e+00> : vector<8192xf32>
    %reduce_sum3A_126 = vector.multi_reduction <add>, %integer_pow3A_124, %reduce_sum3A_125 [1] : vector<8192x128xf32> to vector<8192xf32>
    %broadcast_in_dim3A_127 = vector.shape_cast %reduce_sum3A_126 : vector<8192xf32> to vector<8192x1xf32>
    %div3A_128 = arith.constant 1.280000e+02 : f32
    %div3A_129 = vector.broadcast %div3A_128 : f32 to vector<8192x1xf32>
    %div3A_130 = arith.divf %broadcast_in_dim3A_127, %div3A_129 : vector<8192x1xf32>
    %sub3A_131 = vector.broadcast %div3A_121 : vector<8192x1xf32> to vector<8192x128xf32>
    %sub3A_132 = arith.subf %add3A_109, %sub3A_131 : vector<8192x128xf32>
    %add3A_133 = arith.constant 9.99999974E-6 : f32
    %add3A_134 = vector.broadcast %add3A_133 : f32 to vector<8192x1xf32>
    %add3A_135 = arith.addf %div3A_130, %add3A_134 : vector<8192x1xf32>
    %rsqrt3A_136 = math.rsqrt %add3A_135 : vector<8192x1xf32>
    %mul3A_137 = vector.broadcast %rsqrt3A_136 : vector<8192x1xf32> to vector<8192x128xf32>
    %mul3A_138 = arith.mulf %sub3A_132, %mul3A_137 : vector<8192x128xf32>
    %mul3A_139 = vector.broadcast %get3A_112 : vector<1x128xf32> to vector<8192x128xf32>
    %mul3A_140 = arith.mulf %mul3A_138, %mul3A_139 : vector<8192x128xf32>
    %add3A_141 = vector.broadcast %get3A_115 : vector<1x128xf32> to vector<8192x128xf32>
    %add3A_142 = arith.addf %mul3A_140, %add3A_141 : vector<8192x128xf32>
    %max3A_143 = arith.constant 0.000000e+00 : f32
    %max3A_144 = vector.broadcast %max3A_143 : f32 to vector<8192x128xf32>
    %max3A_145 = arith.maximumf %add3A_142, %max3A_144 : vector<8192x128xf32>
    %get3A_146 = arith.constant 0 : index
    %get3A_147 = arith.constant 0 : index
    %get3A_148 = vector.load %arg18[%get3A_146, %get3A_147] : memref<128x128xf32, #tpu.memory_space<vmem>>, vector<128x128xf32>
    %dot_general3A_149 = arith.constant dense<0.000000e+00> : vector<8192x128xf32>
    %dot_general3A_150 = tpu.matmul %max3A_145, %get3A_148, %dot_general3A_149 {dimension_numbers = #tpu.dot_dimension_numbers<[1], [0], [0], [1], [0, 0, 1, 1], [], []>, transpose_lhs_hint = false} : vector<8192x128xf32>, vector<128x128xf32>, vector<8192x128xf32> -> vector<8192x128xf32>
    %get3A_151 = arith.constant 0 : index
    %get3A_152 = arith.constant 0 : index
    %get3A_153 = vector.load %arg19[%get3A_151, %get3A_152] : memref<1x128xf32, #tpu.memory_space<vmem>>, vector<1x128xf32>
    %add3A_154 = vector.broadcast %get3A_153 : vector<1x128xf32> to vector<8192x128xf32>
    %add3A_155 = arith.addf %dot_general3A_150, %add3A_154 : vector<8192x128xf32>
    %logistic3A_156 = arith.negf %add3A_155 : vector<8192x128xf32>
    %logistic3A_157 = math.exp %logistic3A_156 : vector<8192x128xf32>
    %logistic3A_158 = arith.constant 1.000000e+00 : f32
    %logistic3A_159 = vector.broadcast %logistic3A_158 : f32 to vector<8192x128xf32>
    %logistic3A_160 = arith.addf %logistic3A_159, %logistic3A_157 : vector<8192x128xf32>
    %logistic3A_161 = arith.divf %logistic3A_159, %logistic3A_160 : vector<8192x128xf32>
    %mul3A_162 = arith.mulf %add3A_155, %logistic3A_161 : vector<8192x128xf32>
    %get3A_163 = arith.constant 0 : index
    %get3A_164 = arith.constant 0 : index
    %get3A_165 = vector.load %arg20[%get3A_163, %get3A_164] : memref<128x128xf32, #tpu.memory_space<vmem>>, vector<128x128xf32>
    %dot_general3A_166 = arith.constant dense<0.000000e+00> : vector<8192x128xf32>
    %dot_general3A_167 = tpu.matmul %mul3A_162, %get3A_165, %dot_general3A_166 {dimension_numbers = #tpu.dot_dimension_numbers<[1], [0], [0], [1], [0, 0, 1, 1], [], []>, transpose_lhs_hint = false} : vector<8192x128xf32>, vector<128x128xf32>, vector<8192x128xf32> -> vector<8192x128xf32>
    %get3A_168 = arith.constant 0 : index
    %get3A_169 = arith.constant 0 : index
    %get3A_170 = vector.load %arg21[%get3A_168, %get3A_169] : memref<1x128xf32, #tpu.memory_space<vmem>>, vector<1x128xf32>
    %add3A_171 = vector.broadcast %get3A_170 : vector<1x128xf32> to vector<8192x128xf32>
    %add3A_172 = arith.addf %dot_general3A_167, %add3A_171 : vector<8192x128xf32>
    %add3A_173 = arith.addf %add3A_172, %reshape3A_25 : vector<8192x128xf32>
    %get3A_174 = arith.constant 0 : index
    %get3A_175 = arith.constant 0 : index
    %get3A_176 = vector.load %arg22[%get3A_174, %get3A_175] : memref<1x128xf32, #tpu.memory_space<vmem>>, vector<1x128xf32>
    %get3A_177 = arith.constant 0 : index
    %get3A_178 = arith.constant 0 : index
    %get3A_179 = vector.load %arg23[%get3A_177, %get3A_178] : memref<1x128xf32, #tpu.memory_space<vmem>>, vector<1x128xf32>
    %reduce_sum3A_180 = arith.constant dense<0.000000e+00> : vector<8192xf32>
    %reduce_sum3A_181 = vector.multi_reduction <add>, %add3A_173, %reduce_sum3A_180 [1] : vector<8192x128xf32> to vector<8192xf32>
    %broadcast_in_dim3A_182 = vector.shape_cast %reduce_sum3A_181 : vector<8192xf32> to vector<8192x1xf32>
    %div3A_183 = arith.constant 1.280000e+02 : f32
    %div3A_184 = vector.broadcast %div3A_183 : f32 to vector<8192x1xf32>
    %div3A_185 = arith.divf %broadcast_in_dim3A_182, %div3A_184 : vector<8192x1xf32>
    %sub3A_186 = vector.broadcast %div3A_185 : vector<8192x1xf32> to vector<8192x128xf32>
    %sub3A_187 = arith.subf %add3A_173, %sub3A_186 : vector<8192x128xf32>
    %integer_pow3A_188 = arith.mulf %sub3A_187, %sub3A_187 : vector<8192x128xf32>
    %reduce_sum3A_189 = arith.constant dense<0.000000e+00> : vector<8192xf32>
    %reduce_sum3A_190 = vector.multi_reduction <add>, %integer_pow3A_188, %reduce_sum3A_189 [1] : vector<8192x128xf32> to vector<8192xf32>
    %broadcast_in_dim3A_191 = vector.shape_cast %reduce_sum3A_190 : vector<8192xf32> to vector<8192x1xf32>
    %div3A_192 = arith.constant 1.280000e+02 : f32
    %div3A_193 = vector.broadcast %div3A_192 : f32 to vector<8192x1xf32>
    %div3A_194 = arith.divf %broadcast_in_dim3A_191, %div3A_193 : vector<8192x1xf32>
    %sub3A_195 = vector.broadcast %div3A_185 : vector<8192x1xf32> to vector<8192x128xf32>
    %sub3A_196 = arith.subf %add3A_173, %sub3A_195 : vector<8192x128xf32>
    %add3A_197 = arith.constant 9.99999974E-6 : f32
    %add3A_198 = vector.broadcast %add3A_197 : f32 to vector<8192x1xf32>
    %add3A_199 = arith.addf %div3A_194, %add3A_198 : vector<8192x1xf32>
    %rsqrt3A_200 = math.rsqrt %add3A_199 : vector<8192x1xf32>
    %mul3A_201 = vector.broadcast %rsqrt3A_200 : vector<8192x1xf32> to vector<8192x128xf32>
    %mul3A_202 = arith.mulf %sub3A_196, %mul3A_201 : vector<8192x128xf32>
    %mul3A_203 = vector.broadcast %get3A_176 : vector<1x128xf32> to vector<8192x128xf32>
    %mul3A_204 = arith.mulf %mul3A_202, %mul3A_203 : vector<8192x128xf32>
    %add3A_205 = vector.broadcast %get3A_179 : vector<1x128xf32> to vector<8192x128xf32>
    %add3A_206 = arith.addf %mul3A_204, %add3A_205 : vector<8192x128xf32>
    %max3A_207 = arith.constant 0.000000e+00 : f32
    %max3A_208 = vector.broadcast %max3A_207 : f32 to vector<8192x128xf32>
    %max3A_209 = arith.maximumf %add3A_206, %max3A_208 : vector<8192x128xf32>
    %get3A_210 = arith.constant 0 : index
    %get3A_211 = arith.constant 0 : index
    %get3A_212 = vector.load %arg24[%get3A_210, %get3A_211] : memref<128x4xf32, #tpu.memory_space<vmem>>, vector<128x4xf32>
    %dot_general3A_213 = arith.constant dense<0.000000e+00> : vector<8192x4xf32>
    %dot_general3A_214 = tpu.matmul %max3A_209, %get3A_212, %dot_general3A_213 {dimension_numbers = #tpu.dot_dimension_numbers<[1], [0], [0], [1], [0, 0, 1, 1], [], []>, transpose_lhs_hint = false} : vector<8192x128xf32>, vector<128x4xf32>, vector<8192x4xf32> -> vector<8192x4xf32>
    %get3A_215 = arith.constant 0 : index
    %get3A_216 = arith.constant 0 : index
    %get3A_217 = vector.load %arg25[%get3A_215, %get3A_216] : memref<1x4xf32, #tpu.memory_space<vmem>>, vector<1x4xf32>
    %add3A_218 = vector.broadcast %get3A_217 : vector<1x4xf32> to vector<8192x4xf32>
    %add3A_219 = arith.addf %dot_general3A_214, %add3A_218 : vector<8192x4xf32>
    %reshape3A_220 = vector.shape_cast %add3A_219 : vector<8192x4xf32> to vector<32x256x4xf32>
    %swap3A = arith.constant 0 : index
    %swap3A_221 = arith.constant 0 : index
    %swap3A_222 = arith.constant 0 : index
    %swap3A_223 = vector.load %arg26[%swap3A, %swap3A_221, %swap3A_222] : memref<32x256x4xf32, #tpu.memory_space<vmem>>, vector<32x256x4xf32>
    tpu.vector_store %arg26[%swap3A, %swap3A_221, %swap3A_222], %reshape3A_220 {strides = array<i32>} : memref<32x256x4xf32, #tpu.memory_space<vmem>>, vector<32x256x4xf32>,
    return
  }
  func.func @transform_0(%arg0: i32) -> (i32, i32, i32) {
    %c0_i32 = arith.constant 0 : i32
    %c0_i32_0 = arith.constant 0 : i32
    %c0_i32_1 = arith.constant 0 : i32
    return %arg0, %c0_i32, %c0_i32_0 : i32, i32, i32
  }
  func.func @transform_1(%arg0: i32) -> (i32, i32) {
    %c0_i32 = arith.constant 0 : i32
    %c0_i32_0 = arith.constant 0 : i32
    return %arg0, %c0_i32 : i32, i32
  }
  func.func @transform_2(%arg0: i32) -> (i32, i32) {
    %c0_i32 = arith.constant 0 : i32
    %c0_i32_0 = arith.constant 0 : i32
    %c0_i32_1 = arith.constant 0 : i32
    return %c0_i32, %c0_i32_0 : i32, i32
  }
  func.func @transform_3(%arg0: i32) -> (i32, i32) {
    %c0_i32 = arith.constant 0 : i32
    %c0_i32_0 = arith.constant 0 : i32
    return %arg0, %c0_i32 : i32, i32
  }
  func.func @transform_4(%arg0: i32) -> (i32, i32) {
    %c0_i32 = arith.constant 0 : i32
    %c0_i32_0 = arith.constant 0 : i32
    %c0_i32_1 = arith.constant 0 : i32
    return %c0_i32, %c0_i32_0 : i32, i32
  }
  func.func @transform_5(%arg0: i32) -> (i32, i32) {
    %c0_i32 = arith.constant 0 : i32
    %c0_i32_0 = arith.constant 0 : i32
    %c0_i32_1 = arith.constant 0 : i32
    return %c0_i32, %c0_i32_0 : i32, i32
  }
  func.func @transform_6(%arg0: i32) -> (i32, i32) {
    %c0_i32 = arith.constant 0 : i32
    %c0_i32_0 = arith.constant 0 : i32
    %c0_i32_1 = arith.constant 0 : i32
    return %c0_i32, %c0_i32_0 : i32, i32
  }
  func.func @transform_7(%arg0: i32) -> (i32, i32) {
    %c0_i32 = arith.constant 0 : i32
    %c0_i32_0 = arith.constant 0 : i32
    %c0_i32_1 = arith.constant 0 : i32
    return %c0_i32, %c0_i32_0 : i32, i32
  }
  func.func @transform_8(%arg0: i32) -> (i32, i32) {
    %c0_i32 = arith.constant 0 : i32
    %c0_i32_0 = arith.constant 0 : i32
    %c0_i32_1 = arith.constant 0 : i32
    return %c0_i32, %c0_i32_0 : i32, i32
  }
  func.func @transform_9(%arg0: i32) -> (i32, i32) {
    %c0_i32 = arith.constant 0 : i32
    %c0_i32_0 = arith.constant 0 : i32
    %c0_i32_1 = arith.constant 0 : i32
    return %c0_i32, %c0_i32_0 : i32, i32
  }
  func.func @transform_10(%arg0: i32) -> (i32, i32) {
    %c0_i32 = arith.constant 0 : i32
    %c0_i32_0 = arith.constant 0 : i32
    %c0_i32_1 = arith.constant 0 : i32
    return %c0_i32, %c0_i32_0 : i32, i32
  }
  func.func @transform_11(%arg0: i32) -> (i32, i32) {
    %c0_i32 = arith.constant 0 : i32
    %c0_i32_0 = arith.constant 0 : i32
    %c0_i32_1 = arith.constant 0 : i32
    return %c0_i32, %c0_i32_0 : i32, i32
  }
  func.func @transform_12(%arg0: i32) -> (i32, i32) {
    %c0_i32 = arith.constant 0 : i32
    %c0_i32_0 = arith.constant 0 : i32
    %c0_i32_1 = arith.constant 0 : i32
    return %c0_i32, %c0_i32_0 : i32, i32
  }
  func.func @transform_13(%arg0: i32) -> (i32, i32) {
    %c0_i32 = arith.constant 0 : i32
    %c0_i32_0 = arith.constant 0 : i32
    %c0_i32_1 = arith.constant 0 : i32
    return %c0_i32, %c0_i32_0 : i32, i32
  }
  func.func @transform_14(%arg0: i32) -> (i32, i32) {
    %c0_i32 = arith.constant 0 : i32
    %c0_i32_0 = arith.constant 0 : i32
    %c0_i32_1 = arith.constant 0 : i32
    return %c0_i32, %c0_i32_0 : i32, i32
  }
  func.func @transform_15(%arg0: i32) -> (i32, i32) {
    %c0_i32 = arith.constant 0 : i32
    %c0_i32_0 = arith.constant 0 : i32
    %c0_i32_1 = arith.constant 0 : i32
    return %c0_i32, %c0_i32_0 : i32, i32
  }
  func.func @transform_16(%arg0: i32) -> (i32, i32) {
    %c0_i32 = arith.constant 0 : i32
    %c0_i32_0 = arith.constant 0 : i32
    %c0_i32_1 = arith.constant 0 : i32
    return %c0_i32, %c0_i32_0 : i32, i32
  }
  func.func @transform_17(%arg0: i32) -> (i32, i32) {
    %c0_i32 = arith.constant 0 : i32
    %c0_i32_0 = arith.constant 0 : i32
    %c0_i32_1 = arith.constant 0 : i32
    return %c0_i32, %c0_i32_0 : i32, i32
  }
  func.func @transform_18(%arg0: i32) -> (i32, i32) {
    %c0_i32 = arith.constant 0 : i32
    %c0_i32_0 = arith.constant 0 : i32
    %c0_i32_1 = arith.constant 0 : i32
    return %c0_i32, %c0_i32_0 : i32, i32
  }
  func.func @transform_19(%arg0: i32) -> (i32, i32) {
    %c0_i32 = arith.constant 0 : i32
    %c0_i32_0 = arith.constant 0 : i32
    %c0_i32_1 = arith.constant 0 : i32
    return %c0_i32, %c0_i32_0 : i32, i32
  }
  func.func @transform_20(%arg0: i32) -> (i32, i32) {
    %c0_i32 = arith.constant 0 : i32
    %c0_i32_0 = arith.constant 0 : i32
    %c0_i32_1 = arith.constant 0 : i32
    return %c0_i32, %c0_i32_0 : i32, i32
  }
  func.func @transform_21(%arg0: i32) -> (i32, i32) {
    %c0_i32 = arith.constant 0 : i32
    %c0_i32_0 = arith.constant 0 : i32
    %c0_i32_1 = arith.constant 0 : i32
    return %c0_i32, %c0_i32_0 : i32, i32
  }
  func.func @transform_22(%arg0: i32) -> (i32, i32) {
    %c0_i32 = arith.constant 0 : i32
    %c0_i32_0 = arith.constant 0 : i32
    %c0_i32_1 = arith.constant 0 : i32
    return %c0_i32, %c0_i32_0 : i32, i32
  }
  func.func @transform_23(%arg0: i32) -> (i32, i32) {
    %c0_i32 = arith.constant 0 : i32
    %c0_i32_0 = arith.constant 0 : i32
    %c0_i32_1 = arith.constant 0 : i32
    return %c0_i32, %c0_i32_0 : i32, i32
  }
  func.func @transform_24(%arg0: i32) -> (i32, i32) {
    %c0_i32 = arith.constant 0 : i32
    %c0_i32_0 = arith.constant 0 : i32
    %c0_i32_1 = arith.constant 0 : i32
    return %c0_i32, %c0_i32_0 : i32, i32
  }
  func.func @transform_25(%arg0: i32) -> (i32, i32, i32) {
    %c0_i32 = arith.constant 0 : i32
    %c0_i32_0 = arith.constant 0 : i32
    %c0_i32_1 = arith.constant 0 : i32
    return %arg0, %c0_i32, %c0_i32_0 : i32, i32, i32
  }
}

</mosaic_0001>

<sc_bundles>
// kernel: kernel.5.cloned.1.call-start
scs
__scs_entry_jumppad:
0x0: {  	(pc) =	sbr.rel $0x88, $3  }
0x1: {  	(tag) =	ssettag $0x0;
	lr =	simm.s32 $0x1  }
0x2: {  	[smem:$0x3F51] =	sst lr;
	_ =	strace $0xD0000000  }
0x3: {  	_ = 	snop  }
0x4: {  	_ = 	snop  }
0x5: {  	_ = 	snop  }
0x6: {  	_ = 	snop  }
0x7: {  	_ = 	snop  }
__scs_overlays_trampoline_lowered:
0x8: {  	[smem:$0x3F60] =	sst s0  }
0x9: {  	[smem:$0x3F61] =	sst s1  }
0xa: {  	[smem:$0x3F62] =	sst s2  }
0xb: {  	[smem:$0x3F63] =	sst s3  }
0xc: {  	[smem:$0x3F64] =	sst s4  }
0xd: {  	[smem:$0x3F65] =	sst s5  }
0xe: {  	[smem:$0x3F66] =	sst s6  }
0xf: {  	[smem:$0x3F67] =	sst s7  }
0x10: {  	[smem:$0x3F68] =	sst s8  }
0x11: {  	[smem:$0x3F69] =	sst s9;
	s0 =	simm.s32 @!p0 $0x0  }
0x12: {  	s1 =	sld [smem:$0x3F4F];
	s0 =	simm.s32 @p0 $0x1  }
0x13: {  	[smem:$0x3F6A] =	sst s0;
	s0 =	simm.s32 @!p1 $0x0  }
0x14: {  	s2 =	sld [smem:$0x3F4E];
	s0 =	simm.s32 @p1 $0x1  }
0x15: {  	[smem:$0x3F6B] =	sst s0;
	s0 =	simm.s32 @!p2 $0x0  }
0x16: {  	s3 =	sld [smem:$0x3FDB];
	s0 =	simm.s32 @p2 $0x1  }
0x17: {  	s4 =	simm.s32 $0x1BF5;
	[smem:$0x3F6D] =	sst s0  }
0x18: {  	s0 =	sld [smem:$0x3F50];
	_ =	swait.ge [sflag:s4], $0x0  }
0x19: {  	s7 =	sld [smem:$0x3F51]  }
0x1a: {  	s8 =	sadd.s32 $0xFFFFE003, lr  }
0x1b: {  	s9 =	sadd.s32 $0xFFFFFEF7, lr;
	s5 =	simm.s32 $0xFFFFFFFF;
	p2 =	slt.u32 s8, $0xFFFFF086  }
0x1c: {  	p1 =	slt.u32 s9, $0xF7A;
	s5 =	simm.s32 @!p2 $0x0  }
0x1d: {  	s5 =	simm.s32 @p1 $0x1;
	p0 =	seq.s32 s7, s2  }
0x1e: {  	s7 =	smul.u32 @!p0 $0xF7A, s2;
	p2 =	seq.s32 @!p0 s5, $0x0  }
0x1f: {  	s9 =	smul.u32 $0xF7A, s1;
	s8 =	simm.s32 @!p0 $0x1BF5;
	p2 =	por !p2, p0  }
0x20: {  	[sflag:s8] =	ssyncset.s32 @!p0 $0xFFFFF086;
	s6 =	sadd.s32 @!p0 s3, s7;
	s7 =	simm.s32 @!p0 $0x108  }
0x21: {  	s3 =	sadd.s32 s3, s9;
	s6 =	sadd.s32 @!p0 $0x88, s6;
	s7 =	simm.s32 @p2 $0x1082  }
0x22: {  	[simem:s7], [sflag:s8] =	dma.local @!p0 [hbm:s6], $0xF7A  }
0x23: {  	s9 =	sor.u32 $0xD0000000, s2;
	s6 =	simm.s32 $0x108;
	_ =	swait.ge @!p0 [sflag:s8], $0x0  }
0x24: {  	s3 =	sadd.s32 $0x88, s3;
	s6 =	simm.s32 @!p1 $0x1082;
	[sflag:s4] =	ssyncset.s32 $0xFFFFF086  }
0x25: {  	[simem:s6], [sflag:s4] =	dma.local [hbm:s3], $0xF7A  }
0x26: {  	[smem:$0x3F51] =	sst s1;
	(tag) =	ssettag s2;
	_ =	strace s9  }
0x27: {  	s1 =	sld [smem:$0x3F61]  }
0x28: {  	s2 =	sld [smem:$0x3F62]  }
0x29: {  	s4 =	sld [smem:$0x3F64]  }
0x2a: {  	p0 =	seq.s32 s5, $0x0;
	s5 =	sld [smem:$0x3F65]  }
0x2b: {  	s6 =	sld [smem:$0x3F66]  }
0x2c: {  	s7 =	sld [smem:$0x3F67]  }
0x2d: {  	s3 =	simm.s32 $0x108;
	s8 =	sld [smem:$0x3F68]  }
0x2e: {  	s3 =	simm.s32 @!p0 $0x1082;
	s9 =	sld [smem:$0x3F69]  }
0x2f: {  	lr =	sadd.s32 s0, s3;
	s0 =	sld [smem:$0x3F60]  }
0x30: {  	s3 =	sld [smem:$0x3F63]  }
0x31: {  	[smem:$0x3F6C] =	sst s10  }
0x32: {  	s10 =	sld [smem:$0x3F6A];
	_ =	sdelay $0x3  }
0x33: {  	p0 =	seq.s32 s10, $0x1;
	s10 =	sld [smem:$0x3F6C];
	_ =	sdelay $0x3  }
0x34: {  	[smem:$0x3F6C] =	sst s10  }
0x35: {  	s10 =	sld [smem:$0x3F6B];
	_ =	sdelay $0x3  }
0x36: {  	p1 =	seq.s32 s10, $0x1;
	s10 =	sld [smem:$0x3F6C];
	_ =	sdelay $0x3  }
0x37: {  	[smem:$0x3F6C] =	sst s10  }
0x38: {  	s10 =	sld [smem:$0x3F6D]  }
0x39: {  	_ = 	snop;
	(pc) =	sbr.ind lr, $3  }
0x3a: {  	_ = 	snop  }
0x3b: {  	_ = 	snop  }
0x3c: {  	p2 =	seq.s32 s10, $0x1;
	s10 =	sld [smem:$0x3F6C]  }
0x3d: {  	_ =	shalt  }
0x3e: {  	_ =	shalt  }
0x3f: {  	_ =	shalt  }
0x40: {  	_ =	shalt  }
0x41: {  	_ =	shalt  }
0x42: {  	_ =	shalt  }
0x43: {  	_ =	shalt  }
0x44: {  	_ =	shalt  }
0x45: {  	_ =	shalt  }
0x46: {  	_ =	shalt  }
0x47: {  	_ =	shalt  }
0x48: {  	_ =	shalt  }
0x49: {  	_ =	shalt  }
0x4a: {  	_ =	shalt  }
0x4b: {  	_ =	shalt  }
0x4c: {  	_ =	shalt  }
0x4d: {  	_ =	shalt  }
0x4e: {  	_ =	shalt  }
0x4f: {  	_ =	shalt  }
0x50: {  	_ =	shalt  }
0x51: {  	_ =	shalt  }
0x52: {  	_ =	shalt  }
0x53: {  	_ =	shalt  }
0x54: {  	_ =	shalt  }
0x55: {  	_ =	shalt  }
0x56: {  	_ =	shalt  }
0x57: {  	_ =	shalt  }
0x58: {  	_ =	shalt  }
0x59: {  	_ =	shalt  }
0x5a: {  	_ =	shalt  }
0x5b: {  	_ =	shalt  }
0x5c: {  	_ =	shalt  }
0x5d: {  	_ =	shalt  }
0x5e: {  	_ =	shalt  }
0x5f: {  	_ =	shalt  }
0x60: {  	_ =	shalt  }
0x61: {  	_ =	shalt  }
0x62: {  	_ =	shalt  }
0x63: {  	_ =	shalt  }
0x64: {  	_ =	shalt  }
0x65: {  	_ =	shalt  }
0x66: {  	_ =	shalt  }
0x67: {  	_ =	shalt  }
0x68: {  	_ =	shalt  }
0x69: {  	_ =	shalt  }
0x6a: {  	_ =	shalt  }
0x6b: {  	_ =	shalt  }
0x6c: {  	_ =	shalt  }
0x6d: {  	_ =	shalt  }
0x6e: {  	_ =	shalt  }
0x6f: {  	_ =	shalt  }
0x70: {  	_ =	shalt  }
0x71: {  	_ =	shalt  }
0x72: {  	_ =	shalt  }
0x73: {  	_ =	shalt  }
0x74: {  	_ =	shalt  }
0x75: {  	_ =	shalt  }
0x76: {  	_ =	shalt  }
0x77: {  	_ =	shalt  }
0x78: {  	_ =	shalt  }
0x79: {  	_ =	shalt  }
0x7a: {  	_ =	shalt  }
0x7b: {  	_ =	shalt  }
0x7c: {  	_ =	shalt  }
0x7d: {  	_ =	shalt  }
0x7e: {  	_ =	shalt  }
0x7f: {  	_ =	shalt  }
0x80: {  	_ =	shalt  }
0x81: {  	_ =	shalt  }
0x82: {  	_ =	shalt  }
0x83: {  	_ =	shalt  }
0x84: {  	_ =	shalt  }
0x85: {  	_ =	shalt  }
0x86: {  	_ =	shalt  }
0x87: {  	_ =	shalt  }
.Lfunc_end0:
.L_simem_size_0:
called_computation_lowered:
.L_overlay_start_0:
0x88: {  	s2 =	sld [smem:$0x3FD9]  }
0x89: {  	s3 =	sld [smem:$0x3FFE];
	_ =	sdelay $0x1  }
0x8a: {  	s1 =	srdreg.scid  }
0x8b: {  	s0 =	sand.u32 $0x1, s1  }
0x8c: {  	s17 =	sshll.u32 s0, $0xA;
	s2 =	sadd.s32 s3, s2  }
0x8d: {  	s2 =	sadd.s32 s2, s17  }
0x8e: {  	[smem:$0x3F78] =	sst s2  }
0x8f: {  	_ = 	snop  }
0x90: {  	s2 =	sld [smem:$0x3FC6]  }
0x91: {  	s18 =	sld [smem:$0x3FC3]  }
0x92: {  	s4 =	sld [smem:$0x3FC1]  }
0x93: {  	s5 =	sld [smem:$0x3FD0];
	(tm) =	ssettm $0x1  }
0x94: {  	s6 =	sld [smem:$0x3FFB];
	_ =	sdelay $0x3  }
0x95: {  	_ =	strace s6  }
0x96: {  	s6 =	sld [smem:$0x3FFC];
	_ =	sdelay $0x3  }
0x97: {  	_ =	strace s6  }
0x98: {  	s6 =	sld [smem:$0x3FFD];
	_ =	sdelay $0x3  }
0x99: {  	_ =	strace s6  }
0x9a: {  	_ =	strace $0x8FFFFFFF  }
0x9b: {  	s19 =	sld [smem:$0x3FDB];
	_ =	sdelay $0x1  }
0x9c: {  	s7 =	simm.s32 $_scs_section_size  }
0x9d: {  	s8 =	simm.s32 $_size__tile_overlayer_lowered;
	s9 =	simm.s32 $_tile_overlayer_lowered  }
0x9e: {  	s22 =	simm.s32 $0x1BFF;
	s21 =	sshll.u32 s9, $0x1;
	s6 =	sadd.s32 s7, s19  }
0x9f: {  	s10 =	simm.s32 $0x0;
	s20 =	sshll.u32 s8, $0x1;
	s8 =	sadd.s32 s21, s6  }
0xa0: {  	[timem:s10], [sflag:s22] =	dma.local [hbm:s8], s20  }
0xa1: {  	_ =	swait.ge [sflag:s22], s20  }
0xa2: {  	s7 =	ssub.s32 $0x0, s20;
	[sflag:s22] =	ssyncset.done $0x0  }
0xa3: {  	[sflag:s22] =	ssyncadd.s32 s7;
	_ =	sdelay $0x1  }
0xa4: {  	s23 =	simm.s32 $0x1B8B  }
0xa5: {  	_ =	swait.ge [sflag:s23], $0x1  }
0xa6: {  	[sflag:s23] =	ssyncset.done $0x0  }
0xa7: {  	s25 =	simm.s32 $0x1B8E;
	s24 =	sld [smem:$0x3FFE];
	[sflag:s23] =	ssyncadd.s32 $0xFFFFFFFF  }
0xa8: {  	s26 =	simm.s32 $execute0_lowered;
	[smem:$0x3FD2] =	sst s25  }
0xa9: {  	s8 =	sshll.u32 s26, $0x1;
	_ =	strace $0x80000046;
	[dreg:$0x1] =	wrdreg $0xFFFFFFFF  }
0xaa: {  	s28 =	simm.s32 $_size_execute0_lowered;
	s6 =	sadd.s32 s6, s8;
	[dreg:$0x0] =	wrdreg $0x0  }
0xab: {  	s8 =	sshll.u32 s28, $0x1;
	[dreg:$0x2] =	wrdreg s6  }
0xac: {  	[dreg:$0x3] =	wrdreg s8  }
0xad: {  	[dreg:$0x4] =	wrdreg $0xC0  }
0xae: {  	_ =	task [dreg:s10], $0x5FFFF  }
0xaf: {  	[dreg:$0x1] =	wrdreg $0xFFFFFFFF  }
0xb0: {  	[dreg:$0x0] =	wrdreg $0x60  }
0xb1: {  	[dreg:$0x2] =	wrdreg s18  }
0xb2: {  	[dreg:$0x3] =	wrdreg s4  }
0xb3: {  	[dreg:$0x4] =	wrdreg s2  }
0xb4: {  	[dreg:$0x5] =	wrdreg s5  }
0xb5: {  	[dreg:$0x6] =	wrdreg s24  }
0xb6: {  	[dreg:$0x7] =	wrdreg $0x9  }
0xb7: {  	_ =	task.clear_ibuf [dreg:s10], $0x8FFFF;
	_ =	strace $0x90000046  }
0xb8: {  	s29 =	simm.s32 $0x9;
	_ =	strace $0x80000048  }
0xb9: {  	_ =	swait.ge [sflag:s29], $0x1  }
0xba: {  	[sflag:s29] =	ssyncadd.s32 $0xFFFFFFFF  }
0xbb: {  	_ =	strace $0x90000048  }
0xbc: {  	_ =	sfence  }
0xbd: {  	s30 =	sld [smem:$0x0];
	_ =	sdelay $0x2  }
0xbe: {  	s31 =	sshll.u32 s1, $0xD;
	s1 =	sshrl.u32 s1, $0x2  }
0xbf: {  	s3 =	sand.u32 $0x4000, s31;
	s1 =	sadd.s32 s1, s30  }
0xc0: {  	s0 =	sor.u32 s3, s0;
	s1 =	sshll.u32 s1, $0x11  }
0xc1: {  	s0 =	sor.u32 s1, s0  }
0xc2: {  	s0 =	sadd.s32 $0x8F2B, s0  }
0xc3: {  	[sflag:s0] =	ssyncadd.remote.s32 $0x1  }
0xc4: {  	_ =	sfence.sel $0xFFFF  }
0xc5: {  	[dreg:$0x0] =	wrdreg $0xFFFFFFFF;
	(pc) =	sbr.abs _section_cstart, $3  }
0xc6: {  	[dreg:$0x1] =	wrdreg $0xFFFFFFFF  }
0xc7: {  	_ =	task.clear_ibuf [dreg:s10], $0x2FFFF;
	_ =	strace $0x9FFFFFFF  }
0xc8: {  	(tm) =	ssettm $0x7FFFFFFF  }
0xc9: {  	_ =	shalt  }
tec
execute0_lowered:
.L_overlay_start_1:
0x0: {  	(tag) =	ssettag $0x1  }
0x1: {  	s1 =	rddreg [dreg:$0x0]  }
0x2: {  	s2 =	rddreg [dreg:$0x1]  }
0x3: {  	s3 =	rddreg [dreg:$0x2]  }
0x4: {  	s6 =	rddreg [dreg:$0x3]  }
0x5: {  	s7 =	rddreg [dreg:$0x4]  }
0x6: {  	s4 =	srdreg.scid;
	s0 =	rddreg [dreg:$0x5]  }
0x7: {  	s5 =	simm.s32 $0x0;
	s8 =	sand.u32 $0x1, s4;
	s4 =	stileid.u32  }
0x8: {  	[smem:$0x7FF] =	sst s5;
	s9 =	sshll.u32 s8, $0x4;
	s8 =	ssub.s32 $0x2, s8  }
0x9: {  	_ =	strace $0x80000047;
	s9 =	sor.u32 s4, s9;
	s13 =	sshrl.u32 s8, $0x1  }
0xa: {  	s10 =	sshll.u32 s9, $0xA;
	s12 =	sshll.u32 s9, $0x8;
	s13 =	ssub.s32 s8, s13  }
0xb: {  	s14 =	sshll.u32 s9, $0x4;
	s9 =	sshll.u32 s9, $0x3;
	s11 =	sadd.s32 s10, s7  }
0xc: {  	s12 =	sadd.s32 s12, s7;
	s15 =	sadd.s32 $0x10, s14;
	s6 =	sadd.s32 s6, s10  }
0xd: {  	s16 =	sadd.s32 $0x8, s9;
	v2 =	vmov s9;
	s9 =	smax.u32 s13, $0x1;
	s10 =	simm.s32 $0x1  }
0xe: {  	v4 =	vimm.f32 $0.0e+00;
	v0 =	vmov s14;
	s13 =	simm.s32 $0x3800;
	s14 =	simm.s32 $0x0;
	s7 =	sadd.s32 $0x9E00, s11  }
0xf: {  	v5 =	vimm.f32 $1.000000000e+00;
	s8 =	sadd.s32 $0x11E00, s12;
	v1 =	vmov s15;
	s11 =	simm.s32 $0x1800;
	v3 =	vmov s16;
	s12 =	simm.s32 $0x1000  }
.LBB2_1:
0x10: {  	[tilespmem:s5], [sflag:$0x1] =	stream.linear.gather [hbm4b:s1+s5], $0x1000, $0x38;
	[tilespmem:$0x4000] =	vst v63  }
0x11: {  	_ =	swait.ge [sflag:s10], $0x1000  }
0x12: {  	[sflag:s10] =	ssyncset.done $0x0  }
0x13: {  	s15 =	simm.s32 $0x0;
	[sflag:s10] =	ssyncadd.s32 $0xFFFFF000  }
.LBB2_2:
0x14: {  	s16 =	sshll.u32 s15, $0x9;
	s17 =	sshll.u32 s15, $0x7  }
0x15: {  	s16 =	sand.u32 $0x1000, s16;
	s17 =	sand.u32 $0x380, s17  }
0x16: {  	s17 =	sor.u32 s17, s16;
	s16 =	simm.s32 $0x0  }
0x17: {  	s17 =	sadd.s32 $0x1800, s17;
	s18 =	sand.u32 $0xC00, s16  }
0x18: {  	s19 =	sand.u32 $0x70, s16;
	s20 =	sadd.s32 s18, s17  }
0x19: {  	s18 =	simm.s32 $0x10;
	s19 =	sadd.s32 s19, s20  }
.LBB2_3:
0x1a: {  	p0 =	sne.s32 s18, $0x1F0  }
0x1b: {  	[tilespmem:s19+$0x0] =	vst v4;
	s16 =	sadd.s32 $0x80, s16;
	s19 =	smov.u32 s18;
	s18 =	sadd.s32 $0x10, s18  }
.Ltmp0:
0x1c: {  	(pc) =	sbr.rel @p0 .LBB2_3-.Ltmp0, $4  }
0x1d: {  	_ = 	snop  }
0x1e: {  	s20 =	sand.u32 $0xC00, s16  }
0x1f: {  	s19 =	sand.u32 $0x70, s19;
	s20 =	sadd.s32 s20, s17  }
0x20: {  	s19 =	sadd.s32 s19, s20  }
0x21: {  	s15 =	sadd.s32 $0x1, s15  }
0x22: {  	p0 =	sne.s32 s15, $0x10  }
.Ltmp1:
0x23: {  	_ = 	snop;
	(pc) =	sbr.rel @p0 .LBB2_2-.Ltmp1, $2  }
0x24: {  	_ =	sdelay $0x2  }
0x25: {  	[tilespmem:s19+$0x0] =	vst v4  }
0x26: {  	s15 =	simm.s32 $0x0  }
0x27: {  	s16 =	sand.u32 $0x70, s15;
	s15 =	sand.u32 $0xF00, s15  }
0x28: {  	s15 =	sor.u32 s16, s15  }
0x29: {  	v6 =	vld [tilespmem:s15+$0x80]  }
0x2a: {  	v7 =	vld [tilespmem:s15+$0x0];
	_ =	sdelay $0x3  }
0x2b: {  	v8 =	vsub.s32 v6, v0  }
0x2c: {  	v9 =	vshll.u32 v7, $0x3;
	v10 =	vshll.u32 v6, $0x7;
	v8 =	vshll.u32 v8, $0x9  }
0x2d: {  	vm0 =	vge.s32 v6, v0;
	v9 =	vand.u32 $0xFFFFFC00, v9;
	v8 =	vand.u32 $0xFFFFF000, v8  }
0x2e: {  	vm1 =	vlt.s32 v6, v1;
	v63 =	vand.u32 $0x380, v10;
	v8 =	vadd.s32 v9, v8  }
0x2f: {  	v6 =	vand.u32 $0x7F, v7;
	vm0 =	vmand vm0, vm1;
	v7 =	vor.u32 v63, v8  }
0x30: {  	v6 =	vor.u32 v6, v7;
	_ =	sdelay $0x1  }
0x31: {  	s17 =	simm.s32 $0x10;
	s15 =	simm.s32 $0x20  }
0x32: {  	s17 =	sand.u32 $0x70, s17;
	s16 =	simm.s32 $0x20;
	s18 =	sand.u32 $0xF00, s15  }
.LBB2_6:
0x33: {  	p0 =	sne.s32 s16, $0x7F0  }
0x34: {  	s17 =	sor.u32 s17, s18;
	[tilespmem:v6+s11+$0x0] =	vst.idx.add.f32.msk vm0, v5;
	s18 =	smov.u32 s16;
	s16 =	sadd.s32 $0x10, s16  }
0x35: {  	v6 =	vld [tilespmem:s17+$0x80]  }
0x36: {  	v7 =	vld [tilespmem:s17+$0x0];
	_ =	sdelay $0x3  }
0x37: {  	v8 =	vsub.s32 v6, v0;
	vm0 =	vge.s32 v6, v0;
	v9 =	vshll.u32 v6, $0x7  }
0x38: {  	vm1 =	vlt.s32 v6, v1;
	v6 =	vshll.u32 v8, $0x9;
	v8 =	vshll.u32 v7, $0x3  }
0x39: {  	vm0 =	vmand vm0, vm1;
	v6 =	vand.u32 $0xFFFFF000, v6;
	v8 =	vand.u32 $0xFFFFFC00, v8  }
0x3a: {  	v6 =	vadd.s32 v8, v6;
	v8 =	vand.u32 $0x380, v9  }
0x3b: {  	v7 =	vand.u32 $0x7F, v7;
	v6 =	vor.u32 v8, v6  }
.Ltmp2:
0x3c: {  	v6 =	vor.u32 v7, v6;
	(pc) =	sbr.rel @p0 .LBB2_6-.Ltmp2, $3  }
0x3d: {  	_ =	sdelay $0x1  }
0x3e: {  	s15 =	sadd.s32 $0x20, s15  }
0x3f: {  	s17 =	sand.u32 $0x70, s18;
	s18 =	sand.u32 $0xF00, s15  }
0x40: {  	_ =	sdelay $0x4  }
0x41: {  	s15 =	sor.u32 s17, s18;
	[tilespmem:v6+s11+$0x0] =	vst.idx.add.f32.msk vm0, v5  }
0x42: {  	v6 =	vld [tilespmem:s15+$0x80]  }
0x43: {  	v7 =	vld [tilespmem:s15+$0x0];
	_ =	sdelay $0x3  }
0x44: {  	v8 =	vsub.s32 v6, v0  }
0x45: {  	vm15 =	vge.s32 v6, v0;
	v9 =	vshll.u32 v7, $0x3;
	v8 =	vshll.u32 v8, $0x9  }
0x46: {  	v10 =	vshll.u32 v6, $0x7;
	v9 =	vand.u32 $0xFFFFFC00, v9;
	v8 =	vand.u32 $0xFFFFF000, v8  }
0x47: {  	vm1 =	vlt.s32 v6, v1;
	v63 =	vand.u32 $0x380, v10;
	v6 =	vadd.s32 v9, v8  }
0x48: {  	v7 =	vand.u32 $0x7F, v7;
	vm0 =	vmand vm15, vm1;
	v6 =	vor.u32 v63, v6  }
0x49: {  	v6 =	vor.u32 v7, v6;
	_ =	sdelay $0x4  }
0x4a: {  	s15 =	simm.s32 $0x0;
	[tilespmem:v6+s11+$0x0] =	vst.idx.add.f32.msk vm0, v5  }
0x4b: {  	[hbm4b:s6+s15] =	stream.linear.scatter [tilespmem:s11], [sflag:$0x1], $0x2000, $0x38;
	[tilespmem:$0x4000] =	vst v63  }
0x4c: {  	_ =	swait.ge [sflag:s10], $0x2000  }
0x4d: {  	[sflag:s10] =	ssyncset.done $0x0  }
0x4e: {  	[sflag:s10] =	ssyncadd.s32 $0xFFFFE000  }
0x4f: {  	[tilespmem:s15], [sflag:$0x1] =	stream.linear.gather [hbm4b:s2+s15], $0x1000, $0x38;
	[tilespmem:$0x4000] =	vst v63  }
0x50: {  	_ =	swait.ge [sflag:s10], $0x1000  }
0x51: {  	[sflag:s10] =	ssyncset.done $0x0  }
0x52: {  	s16 =	simm.s32 $0x0;
	[sflag:s10] =	ssyncadd.s32 $0xFFFFF000  }
.LBB2_8:
0x53: {  	s17 =	sshll.u32 s16, $0x9;
	s18 =	sshll.u32 s16, $0x7  }
0x54: {  	s17 =	sand.u32 $0x1000, s17;
	s18 =	sand.u32 $0x380, s18  }
0x55: {  	s17 =	sor.u32 s18, s17  }
0x56: {  	s31 =	sand.u32 $0xC00, s15;
	s17 =	sadd.s32 $0x1800, s17  }
0x57: {  	s19 =	sand.u32 $0x70, s15;
	s20 =	sadd.s32 s31, s17  }
0x58: {  	s18 =	simm.s32 $0x10;
	s20 =	sadd.s32 s19, s20;
	s19 =	simm.s32 $0x0  }
.LBB2_9:
0x59: {  	p0 =	sne.s32 s18, $0x1F0  }
0x5a: {  	[tilespmem:s20+$0x0] =	vst v4;
	s19 =	sadd.s32 $0x80, s19;
	s20 =	smov.u32 s18;
	s18 =	sadd.s32 $0x10, s18  }
.Ltmp3:
0x5b: {  	(pc) =	sbr.rel @p0 .LBB2_9-.Ltmp3, $4  }
0x5c: {  	_ = 	snop  }
0x5d: {  	s21 =	sand.u32 $0xC00, s19  }
0x5e: {  	s20 =	sand.u32 $0x70, s20;
	s21 =	sadd.s32 s21, s17  }
0x5f: {  	s20 =	sadd.s32 s20, s21  }
0x60: {  	s16 =	sadd.s32 $0x1, s16  }
0x61: {  	p0 =	sne.s32 s16, $0x10  }
.Ltmp4:
0x62: {  	_ = 	snop;
	(pc) =	sbr.rel @p0 .LBB2_8-.Ltmp4, $2  }
0x63: {  	_ =	sdelay $0x2  }
0x64: {  	[tilespmem:s20+$0x0] =	vst v4  }
0x65: {  	s15 =	simm.s32 $0x0  }
0x66: {  	s16 =	sand.u32 $0x70, s15;
	s15 =	sand.u32 $0xF00, s15  }
0x67: {  	s15 =	sor.u32 s16, s15  }
0x68: {  	v6 =	vld [tilespmem:s15+$0x80]  }
0x69: {  	v7 =	vld [tilespmem:s15+$0x0];
	_ =	sdelay $0x3  }
0x6a: {  	v8 =	vsub.s32 v6, v0  }
0x6b: {  	v9 =	vshll.u32 v7, $0x3;
	v10 =	vshll.u32 v6, $0x7;
	v8 =	vshll.u32 v8, $0x9  }
0x6c: {  	vm0 =	vge.s32 v6, v0;
	v9 =	vand.u32 $0xFFFFFC00, v9;
	v8 =	vand.u32 $0xFFFFF000, v8  }
0x6d: {  	vm1 =	vlt.s32 v6, v1;
	v63 =	vand.u32 $0x380, v10;
	v8 =	vadd.s32 v9, v8  }
0x6e: {  	v6 =	vand.u32 $0x7F, v7;
	vm0 =	vmand vm0, vm1;
	v7 =	vor.u32 v63, v8  }
0x6f: {  	v6 =	vor.u32 v6, v7;
	_ =	sdelay $0x1  }
0x70: {  	s17 =	simm.s32 $0x10;
	s15 =	simm.s32 $0x20  }
0x71: {  	s17 =	sand.u32 $0x70, s17;
	s16 =	simm.s32 $0x20;
	s18 =	sand.u32 $0xF00, s15  }
.LBB2_12:
0x72: {  	p0 =	sne.s32 s16, $0x7F0  }
0x73: {  	s17 =	sor.u32 s17, s18;
	[tilespmem:v6+s11+$0x0] =	vst.idx.add.f32.msk vm0, v5;
	s18 =	smov.u32 s16;
	s16 =	sadd.s32 $0x10, s16  }
0x74: {  	v6 =	vld [tilespmem:s17+$0x80]  }
0x75: {  	v7 =	vld [tilespmem:s17+$0x0];
	_ =	sdelay $0x3  }
0x76: {  	v8 =	vsub.s32 v6, v0;
	vm0 =	vge.s32 v6, v0;
	v9 =	vshll.u32 v6, $0x7  }
0x77: {  	vm1 =	vlt.s32 v6, v1;
	v6 =	vshll.u32 v8, $0x9;
	v8 =	vshll.u32 v7, $0x3  }
0x78: {  	vm0 =	vmand vm0, vm1;
	v6 =	vand.u32 $0xFFFFF000, v6;
	v8 =	vand.u32 $0xFFFFFC00, v8  }
0x79: {  	v6 =	vadd.s32 v8, v6;
	v8 =	vand.u32 $0x380, v9  }
0x7a: {  	v7 =	vand.u32 $0x7F, v7;
	v6 =	vor.u32 v8, v6  }
.Ltmp5:
0x7b: {  	v6 =	vor.u32 v7, v6;
	(pc) =	sbr.rel @p0 .LBB2_12-.Ltmp5, $3  }
0x7c: {  	_ =	sdelay $0x1  }
0x7d: {  	s15 =	sadd.s32 $0x20, s15  }
0x7e: {  	s17 =	sand.u32 $0x70, s18;
	s18 =	sand.u32 $0xF00, s15  }
0x7f: {  	_ =	sdelay $0x4  }
0x80: {  	s15 =	sor.u32 s17, s18;
	[tilespmem:v6+s11+$0x0] =	vst.idx.add.f32.msk vm0, v5  }
0x81: {  	v6 =	vld [tilespmem:s15+$0x80]  }
0x82: {  	v7 =	vld [tilespmem:s15+$0x0];
	_ =	sdelay $0x3  }
0x83: {  	v8 =	vsub.s32 v6, v0  }
0x84: {  	vm0 =	vge.s32 v6, v0;
	v9 =	vshll.u32 v7, $0x3;
	v8 =	vshll.u32 v8, $0x9  }
0x85: {  	v10 =	vshll.u32 v6, $0x7;
	v9 =	vand.u32 $0xFFFFFC00, v9;
	v8 =	vand.u32 $0xFFFFF000, v8  }
0x86: {  	vm1 =	vlt.s32 v6, v1;
	v6 =	vadd.s32 v9, v8;
	v8 =	vand.u32 $0x380, v10  }
0x87: {  	v7 =	vand.u32 $0x7F, v7;
	vm0 =	vmand vm0, vm1;
	v6 =	vor.u32 v8, v6  }
0x88: {  	v6 =	vor.u32 v7, v6;
	_ =	sdelay $0x4  }
0x89: {  	s30 =	simm.s32 $0x0;
	[tilespmem:v6+s11+$0x0] =	vst.idx.add.f32.msk vm0, v5  }
0x8a: {  	[hbm4b:s7+s30] =	stream.linear.scatter [tilespmem:s11], [sflag:$0x1], $0x2000, $0x38;
	[tilespmem:$0x4000] =	vst v63  }
0x8b: {  	_ =	swait.ge [sflag:s10], $0x2000  }
0x8c: {  	[sflag:s10] =	ssyncset.done $0x0  }
0x8d: {  	[sflag:s10] =	ssyncadd.s32 $0xFFFFE000  }
0x8e: {  	[tilespmem:s12], [sflag:$0x1] =	stream.linear.gather [hbm4b:s3+s30], $0x800, $0x38;
	[tilespmem:$0x4000] =	vst v63  }
0x8f: {  	_ =	swait.ge [sflag:s10], $0x800  }
0x90: {  	[sflag:s10] =	ssyncset.done $0x0  }
0x91: {  	[sflag:s10] =	ssyncadd.s32 $0xFFFFF800  }
0x92: {  	[tilespmem:$0x3800] =	vst v4  }
0x93: {  	[tilespmem:$0x3810] =	vst v4  }
0x94: {  	[tilespmem:$0x3820] =	vst v4  }
0x95: {  	[tilespmem:$0x3830] =	vst v4  }
0x96: {  	[tilespmem:$0x3840] =	vst v4  }
0x97: {  	[tilespmem:$0x3850] =	vst v4  }
0x98: {  	[tilespmem:$0x3860] =	vst v4  }
0x99: {  	[tilespmem:$0x3870] =	vst v4  }
0x9a: {  	[tilespmem:$0x3C00] =	vst v4  }
0x9b: {  	[tilespmem:$0x3C10] =	vst v4  }
0x9c: {  	[tilespmem:$0x3C20] =	vst v4  }
0x9d: {  	[tilespmem:$0x3C30] =	vst v4  }
0x9e: {  	[tilespmem:$0x3C40] =	vst v4  }
0x9f: {  	[tilespmem:$0x3C50] =	vst v4  }
0xa0: {  	[tilespmem:$0x3C60] =	vst v4  }
0xa1: {  	[tilespmem:$0x3C70] =	vst v4  }
0xa2: {  	[tilespmem:$0x3880] =	vst v4  }
0xa3: {  	[tilespmem:$0x3890] =	vst v4  }
0xa4: {  	[tilespmem:$0x38A0] =	vst v4  }
0xa5: {  	[tilespmem:$0x38B0] =	vst v4  }
0xa6: {  	[tilespmem:$0x38C0] =	vst v4  }
0xa7: {  	[tilespmem:$0x38D0] =	vst v4  }
0xa8: {  	[tilespmem:$0x38E0] =	vst v4  }
0xa9: {  	[tilespmem:$0x38F0] =	vst v4  }
0xaa: {  	[tilespmem:$0x3C80] =	vst v4  }
0xab: {  	[tilespmem:$0x3C90] =	vst v4  }
0xac: {  	[tilespmem:$0x3CA0] =	vst v4  }
0xad: {  	[tilespmem:$0x3CB0] =	vst v4  }
0xae: {  	[tilespmem:$0x3CC0] =	vst v4  }
0xaf: {  	[tilespmem:$0x3CD0] =	vst v4  }
0xb0: {  	[tilespmem:$0x3CE0] =	vst v4  }
0xb1: {  	[tilespmem:$0x3CF0] =	vst v4  }
0xb2: {  	[tilespmem:$0x3900] =	vst v4  }
0xb3: {  	[tilespmem:$0x3910] =	vst v4  }
0xb4: {  	[tilespmem:$0x3920] =	vst v4  }
0xb5: {  	[tilespmem:$0x3930] =	vst v4  }
0xb6: {  	[tilespmem:$0x3940] =	vst v4  }
0xb7: {  	[tilespmem:$0x3950] =	vst v4  }
0xb8: {  	[tilespmem:$0x3960] =	vst v4  }
0xb9: {  	[tilespmem:$0x3970] =	vst v4  }
0xba: {  	[tilespmem:$0x3D00] =	vst v4  }
0xbb: {  	[tilespmem:$0x3D10] =	vst v4  }
0xbc: {  	[tilespmem:$0x3D20] =	vst v4  }
0xbd: {  	[tilespmem:$0x3D30] =	vst v4  }
0xbe: {  	[tilespmem:$0x3D40] =	vst v4  }
0xbf: {  	[tilespmem:$0x3D50] =	vst v4  }
0xc0: {  	[tilespmem:$0x3D60] =	vst v4  }
0xc1: {  	[tilespmem:$0x3D70] =	vst v4  }
0xc2: {  	[tilespmem:$0x3980] =	vst v4  }
0xc3: {  	[tilespmem:$0x3990] =	vst v4  }
0xc4: {  	[tilespmem:$0x39A0] =	vst v4  }
0xc5: {  	[tilespmem:$0x39B0] =	vst v4  }
0xc6: {  	[tilespmem:$0x39C0] =	vst v4  }
0xc7: {  	[tilespmem:$0x39D0] =	vst v4  }
0xc8: {  	[tilespmem:$0x39E0] =	vst v4  }
0xc9: {  	[tilespmem:$0x39F0] =	vst v4  }
0xca: {  	[tilespmem:$0x3D80] =	vst v4  }
0xcb: {  	[tilespmem:$0x3D90] =	vst v4  }
0xcc: {  	[tilespmem:$0x3DA0] =	vst v4  }
0xcd: {  	[tilespmem:$0x3DB0] =	vst v4  }
0xce: {  	[tilespmem:$0x3DC0] =	vst v4  }
0xcf: {  	[tilespmem:$0x3DD0] =	vst v4  }
0xd0: {  	[tilespmem:$0x3DE0] =	vst v4  }
0xd1: {  	[tilespmem:$0x3DF0] =	vst v4  }
0xd2: {  	[tilespmem:$0x3A00] =	vst v4  }
0xd3: {  	[tilespmem:$0x3A10] =	vst v4  }
0xd4: {  	[tilespmem:$0x3A20] =	vst v4  }
0xd5: {  	[tilespmem:$0x3A30] =	vst v4  }
0xd6: {  	[tilespmem:$0x3A40] =	vst v4  }
0xd7: {  	[tilespmem:$0x3A50] =	vst v4  }
0xd8: {  	[tilespmem:$0x3A60] =	vst v4  }
0xd9: {  	[tilespmem:$0x3A70] =	vst v4  }
0xda: {  	[tilespmem:$0x3E00] =	vst v4  }
0xdb: {  	[tilespmem:$0x3E10] =	vst v4  }
0xdc: {  	[tilespmem:$0x3E20] =	vst v4  }
0xdd: {  	[tilespmem:$0x3E30] =	vst v4  }
0xde: {  	[tilespmem:$0x3E40] =	vst v4  }
0xdf: {  	[tilespmem:$0x3E50] =	vst v4  }
0xe0: {  	[tilespmem:$0x3E60] =	vst v4  }
0xe1: {  	[tilespmem:$0x3E70] =	vst v4  }
0xe2: {  	[tilespmem:$0x3A80] =	vst v4  }
0xe3: {  	[tilespmem:$0x3A90] =	vst v4  }
0xe4: {  	[tilespmem:$0x3AA0] =	vst v4  }
0xe5: {  	[tilespmem:$0x3AB0] =	vst v4  }
0xe6: {  	[tilespmem:$0x3AC0] =	vst v4  }
0xe7: {  	[tilespmem:$0x3AD0] =	vst v4  }
0xe8: {  	[tilespmem:$0x3AE0] =	vst v4  }
0xe9: {  	[tilespmem:$0x3AF0] =	vst v4  }
0xea: {  	[tilespmem:$0x3E80] =	vst v4  }
0xeb: {  	[tilespmem:$0x3E90] =	vst v4  }
0xec: {  	[tilespmem:$0x3EA0] =	vst v4  }
0xed: {  	[tilespmem:$0x3EB0] =	vst v4  }
0xee: {  	[tilespmem:$0x3EC0] =	vst v4  }
0xef: {  	[tilespmem:$0x3ED0] =	vst v4  }
0xf0: {  	[tilespmem:$0x3EE0] =	vst v4  }
0xf1: {  	[tilespmem:$0x3EF0] =	vst v4  }
0xf2: {  	[tilespmem:$0x3B00] =	vst v4  }
0xf3: {  	[tilespmem:$0x3B10] =	vst v4  }
0xf4: {  	[tilespmem:$0x3B20] =	vst v4  }
0xf5: {  	[tilespmem:$0x3B30] =	vst v4  }
0xf6: {  	[tilespmem:$0x3B40] =	vst v4  }
0xf7: {  	[tilespmem:$0x3B50] =	vst v4  }
0xf8: {  	[tilespmem:$0x3B60] =	vst v4  }
0xf9: {  	[tilespmem:$0x3B70] =	vst v4  }
0xfa: {  	[tilespmem:$0x3F00] =	vst v4  }
0xfb: {  	[tilespmem:$0x3F10] =	vst v4  }
0xfc: {  	[tilespmem:$0x3F20] =	vst v4  }
0xfd: {  	[tilespmem:$0x3F30] =	vst v4  }
0xfe: {  	[tilespmem:$0x3F40] =	vst v4  }
0xff: {  	[tilespmem:$0x3F50] =	vst v4  }
0x100: {  	[tilespmem:$0x3F60] =	vst v4  }
0x101: {  	[tilespmem:$0x3F70] =	vst v4  }
0x102: {  	[tilespmem:$0x3B80] =	vst v4  }
0x103: {  	[tilespmem:$0x3B90] =	vst v4  }
0x104: {  	[tilespmem:$0x3BA0] =	vst v4  }
0x105: {  	[tilespmem:$0x3BB0] =	vst v4  }
0x106: {  	[tilespmem:$0x3BC0] =	vst v4  }
0x107: {  	[tilespmem:$0x3BD0] =	vst v4  }
0x108: {  	[tilespmem:$0x3BE0] =	vst v4  }
0x109: {  	[tilespmem:$0x3BF0] =	vst v4  }
0x10a: {  	[tilespmem:$0x3F80] =	vst v4  }
0x10b: {  	[tilespmem:$0x3F90] =	vst v4  }
0x10c: {  	[tilespmem:$0x3FA0] =	vst v4  }
0x10d: {  	[tilespmem:$0x3FB0] =	vst v4  }
0x10e: {  	[tilespmem:$0x3FC0] =	vst v4  }
0x10f: {  	[tilespmem:$0x3FD0] =	vst v4  }
0x110: {  	s16 =	sand.u32 $0x70, s30;
	s15 =	sand.u32 $0x700, s30;
	[tilespmem:$0x3FE0] =	vst v4  }
0x111: {  	s15 =	sor.u32 s16, s15;
	[tilespmem:$0x3FF0] =	vst v4  }
0x112: {  	v6 =	vld [tilespmem:s15+$0x1080]  }
0x113: {  	v7 =	vld [tilespmem:s15+$0x1000];
	_ =	sdelay $0x3  }
0x114: {  	v8 =	vsub.s32 v6, v2  }
0x115: {  	v61 =	vshll.u32 v7, $0x3;
	v62 =	vshll.u32 v6, $0x7;
	v8 =	vshll.u32 v8, $0x8  }
0x116: {  	vm0 =	vge.s32 v6, v2;
	v9 =	vand.u32 $0xFFFFFC00, v61;
	v8 =	vand.u32 $0xFFFFF800, v8  }
0x117: {  	vm1 =	vlt.s32 v6, v3;
	v63 =	vand.u32 $0x380, v62;
	v8 =	vadd.s32 v9, v8  }
0x118: {  	v6 =	vand.u32 $0x7F, v7;
	vm0 =	vmand vm0, vm1;
	v7 =	vor.u32 v63, v8  }
0x119: {  	v6 =	vor.u32 v6, v7;
	_ =	sdelay $0x1  }
0x11a: {  	s31 =	simm.s32 $0x10;
	s15 =	simm.s32 $0x20  }
0x11b: {  	s17 =	sand.u32 $0x70, s31;
	s16 =	simm.s32 $0x20;
	s18 =	sand.u32 $0x700, s15  }
.LBB2_14:
0x11c: {  	p0 =	sne.s32 s16, $0x3F0  }
0x11d: {  	s17 =	sor.u32 s17, s18;
	[tilespmem:v6+s13+$0x0] =	vst.idx.add.f32.msk vm0, v5;
	s18 =	smov.u32 s16;
	s16 =	sadd.s32 $0x10, s16  }
0x11e: {  	v6 =	vld [tilespmem:s17+$0x1080]  }
0x11f: {  	v7 =	vld [tilespmem:s17+$0x1000];
	_ =	sdelay $0x3  }
0x120: {  	v8 =	vsub.s32 v6, v2;
	vm0 =	vge.s32 v6, v2;
	v9 =	vshll.u32 v6, $0x7  }
0x121: {  	vm1 =	vlt.s32 v6, v3;
	v6 =	vshll.u32 v8, $0x8;
	v8 =	vshll.u32 v7, $0x3  }
0x122: {  	vm0 =	vmand vm0, vm1;
	v6 =	vand.u32 $0xFFFFF800, v6;
	v8 =	vand.u32 $0xFFFFFC00, v8  }
0x123: {  	v6 =	vadd.s32 v8, v6;
	v8 =	vand.u32 $0x380, v9  }
0x124: {  	v7 =	vand.u32 $0x7F, v7;
	v6 =	vor.u32 v8, v6  }
.Ltmp6:
0x125: {  	v6 =	vor.u32 v7, v6;
	(pc) =	sbr.rel @p0 .LBB2_14-.Ltmp6, $3  }
0x126: {  	_ =	sdelay $0x1  }
0x127: {  	s15 =	sadd.s32 $0x20, s15  }
0x128: {  	s17 =	sand.u32 $0x70, s18;
	s18 =	sand.u32 $0x700, s15  }
0x129: {  	_ =	sdelay $0x4  }
0x12a: {  	s15 =	sor.u32 s17, s18;
	[tilespmem:v6+s13+$0x0] =	vst.idx.add.f32.msk vm0, v5  }
0x12b: {  	v6 =	vld [tilespmem:s15+$0x1080]  }
0x12c: {  	v7 =	vld [tilespmem:s15+$0x1000];
	_ =	sdelay $0x3  }
0x12d: {  	v8 =	vsub.s32 v6, v2  }
0x12e: {  	vm15 =	vge.s32 v6, v2;
	v9 =	vshll.u32 v7, $0x3;
	v8 =	vshll.u32 v8, $0x8  }
0x12f: {  	v10 =	vshll.u32 v6, $0x7;
	v9 =	vand.u32 $0xFFFFFC00, v9;
	v8 =	vand.u32 $0xFFFFF800, v8  }
0x130: {  	vm1 =	vlt.s32 v6, v3;
	v63 =	vand.u32 $0x380, v10;
	v6 =	vadd.s32 v9, v8  }
0x131: {  	v7 =	vand.u32 $0x7F, v7;
	vm0 =	vmand vm15, vm1;
	v6 =	vor.u32 v63, v6  }
0x132: {  	v6 =	vor.u32 v7, v6;
	_ =	sdelay $0x2  }
0x133: {  	s14 =	sadd.s32 $0x1, s14  }
0x134: {  	p0 =	sne.s32 s14, s9  }
.Ltmp7:
0x135: {  	[tilespmem:v6+s13+$0x0] =	vst.idx.add.f32.msk vm0, v5;
	(pc) =	sbr.rel @p0 .LBB2_1-.Ltmp7, $4  }
0x136: {  	[hbm4b:s8+s5] =	stream.linear.scatter [tilespmem:s13], [sflag:$0x1], $0x800, $0x38;
	[tilespmem:$0x4000] =	vst v63  }
0x137: {  	_ =	swait.ge [sflag:s10], $0x800  }
0x138: {  	[sflag:s10] =	ssyncset.done $0x0  }
0x139: {  	[sflag:s10] =	ssyncadd.s32 $0xFFFFF800  }
0x13a: {  	_ =	sfence.sel $0x180000  }
0x13b: {  	[bflag:$0x0] =	sbarrier.arrive $0xFFFF  }
0x13c: {  	p0 =	sne.s32 s4, $0x0;
	_ =	strace $0x90000047  }
0x13d: {  	s0 =	sadd.s32 @!p0 $0x100000, s0;
	[bflag:$0x2] =	sbarrier.arrive $0xFFFF  }
0x13e: {  	[sflag:s0] =	ssyncadd.tile.s32 @!p0 $0x1;
	_ =	shalt  }
.Lfunc_end2:
_tile_overlayer_lowered:
.L_overlay_start_2:
0x13f: {  	(tag) =	ssettag $0x2  }
0x140: {  	s0 =	rddreg [dreg:$0x0];
	s2 =	stileid.u32  }
0x141: {  	s1 =	rddreg [dreg:$0x1];
	p0 =	sne.s32 s2, $0x0  }
0x142: {  	s3 =	rddreg [dreg:$0x2];
	[bflag:$0x3] =	sbarrier.arrive $0xFFFF;
	s2 =	simm.s32 @!p0 $0x1C02  }
0x143: {  	[timem:s3], [sflag:s2] =	dma.local @!p0 [hbm:s0], s1  }
0x144: {  	s0 =	simm.s32 @!p0 $0x2  }
0x145: {  	_ =	swait.ge @!p0 [sflag:s0], s1  }
0x146: {  	s1 =	ssub.s32 @!p0 $0x0, s1;
	[sflag:s0] =	ssyncset.done @!p0 $0x0  }
0x147: {  	[sflag:s0] =	ssyncadd.s32 @!p0 s1  }
0x148: {  	[bflag:$0x3] =	sbarrier.arrive $0xFFFF  }
0x149: {  	_ =	shalt  }

</sc_bundles>
